<compile_context>
chip_gen: v7x
topology: tpu7x:2x2x1
jax: 0.10.2.dev20260603
libtpu: 0.0.44.dev20260713+nightly
codegen_flags: <defaults>
</compile_context>

<pallas_src>
import functools

import jax
import jax.numpy as jnp
from jax import lax
from jax.experimental import pallas as pl
from jax.experimental.pallas import tpu as pltpu
from jax.experimental.pallas import tpu_sc as plsc

NROWS = 4096
ROWLEN = 200
DIM = 64
NTOK = NROWS * ROWLEN

NC = 2
NS = 16
NW = NC * NS
ROWS_PER_W = NROWS // NW
BLK_ROWS = 2
T = BLK_ROWS * ROWLEN
NBLK = ROWS_PER_W // BLK_ROWS
TOK_PER_W = ROWS_PER_W * ROWLEN

_mesh = plsc.VectorSubcoreMesh(
    core_axis_name="c", subcore_axis_name="s", num_cores=NC, num_subcores=NS)


@functools.partial(
    pl.kernel,
    out_type=jax.ShapeDtypeStruct((NTOK, DIM), jnp.float32),
    mesh=_mesh,
    compiler_params=pltpu.CompilerParams(
        use_tc_tiling_on_sc=False, needs_layout_passes=False),
    scratch_types=[
        pltpu.VMEM((T,), jnp.int32),
        pltpu.VMEM((T, DIM), jnp.float32),
        pltpu.VMEM((T, DIM), jnp.float32),
        pltpu.SemaphoreType.DMA,
        pltpu.SemaphoreType.DMA,
    ],
)
def _emb_kernel(x_hbm, tok_hbm, pos_hbm, out_hbm,
                idx_v, tok_rows, pos_rows, gsem, psem):
    wid = lax.axis_index("s") * NC + lax.axis_index("c")
    zero = jnp.zeros((16,), jnp.int32)
    lane = lax.iota(jnp.int32, 16)

    def block(g, carry_unused):
        tok0 = wid * TOK_PER_W + g * T
        pltpu.sync_copy(x_hbm.at[pl.ds(tok0, T)], idx_v)

        cps = []
        for r in range(BLK_ROWS):
            base = r * ROWLEN
            carry = zero
            for c in range(13):
                o = base + (c * 16 if c < 12 else ROWLEN - 16)
                xi = idx_v[pl.ds(o, 16)]
                mi = jnp.minimum(xi, 1)
                cs = plsc.cumsum(mi)
                pos = mi * (cs + carry)
                cps.append(pltpu.async_copy(
                    tok_hbm.at[xi], tok_rows.at[pl.ds(o, 16)], gsem))
                cps.append(pltpu.async_copy(
                    pos_hbm.at[pos], pos_rows.at[pl.ds(o, 16)], psem))
                if c < 11:
                    carry = carry + jnp.broadcast_to(jnp.sum(mi), (16,))
                elif c == 11:
                    head = 1 - lane // 8
                    carry = carry + jnp.broadcast_to(jnp.sum(mi * head), (16,))

        for cp in cps:
            cp.wait()

        def addb(t, c):
            for k in range(DIM // 16):
                s = pl.ds(k * 16, 16)
                tok_rows[t, s] = tok_rows[t, s] + pos_rows[t, s]
            return c
        lax.fori_loop(0, T, addb, 0)

        pltpu.sync_copy(tok_rows, out_hbm.at[pl.ds(tok0, T)])
        return carry_unused

    lax.fori_loop(0, NBLK, block, 0)


def kernel(x, tok_table, pos_table):
    x = x.astype(jnp.int32)
    emb = _emb_kernel(x.reshape(NTOK), tok_table, pos_table)
    return emb.reshape(NROWS, ROWLEN, DIM), x == 0

# --- scband reference (transcript-rebuilt; emitter-appended) ---
"""Pipeline reference for scband-combined-embedding-34522947125333 (READ-ONLY COPY).

The authoritative reference and input builder live on the scoring server;
editing this copy changes nothing except your own understanding.
"""

import jax, jax.numpy as jnp
import numpy as np

N_EMB = 1000000
N_POS = 200
DIM = 64


def setup_inputs(seed: int = 0) -> dict:
    key = jax.random.key(seed)
    k1, k2, k3 = jax.random.split(key, 3)
    x = jax.random.randint(k1, (4096, 200), 0, N_EMB, dtype=jnp.int64)
    # tok_embedding: nn.init.normal_(std=0.02)
    tok_table = jax.random.normal(k2, (N_EMB, DIM), dtype=jnp.float32) * 0.02
    # pos_embedding: (N_POS + 1) rows, nn.init.normal_(std=0.01)
    pos_table = jax.random.normal(k3, (N_POS + 1, DIM), dtype=jnp.float32) * 0.01
    return {"x": x, "tok_table": tok_table, "pos_table": pos_table}


def reference(x, tok_table, pos_table):
    # token embeddings (gather)
    tok_emb = jnp.take(tok_table, x, axis=0)
    pad_mask = x == 0  # tok_padding_idx = 0
    # positions: cumsum over non-pad tokens; pad positions -> pos_padding_idx (0)
    positions = jnp.cumsum((~pad_mask).astype(jnp.int64), axis=-1)
    positions = jnp.where(pad_mask, 0, positions)
    pos_emb = jnp.take(pos_table, positions, axis=0)
    # dropout p=0 -> identity
    emb = tok_emb + pos_emb
    return (emb, pad_mask)

if __name__ == "__main__":
    import jax
    _d = setup_inputs()
    print(jax.jit(kernel)(*tuple(_d.values())))

</pallas_src>

<mosaic_0001>
#map = affine_map<(d0, d1) -> (0)>
#map1 = affine_map<(d0, d1) -> (0, 0)>
module attributes {stable_mosaic.version = 14 : i64} {
  func.func @_emb_kernel(%arg0: i32, %arg1: i32, %arg2: memref<819200xi32, #tpu.memory_space<hbm>>, %arg3: memref<1000000x64xf32, #tpu.memory_space<hbm>>, %arg4: memref<201x64xf32, #tpu.memory_space<hbm>>, %arg5: memref<819200x64xf32, #tpu.memory_space<hbm>>, %arg6: memref<400xi32, #tpu.memory_space<vmem>>, %arg7: memref<400x64xf32, #tpu.memory_space<vmem>>, %arg8: memref<400x64xf32, #tpu.memory_space<vmem>>, %arg9: memref<!tpu.dma_semaphore, #tpu.memory_space<semaphore_mem>>, %arg10: memref<!tpu.dma_semaphore, #tpu.memory_space<semaphore_mem>>) attributes {dimension_semantics = [#tpu.dimension_semantics<core_parallel>, #tpu.dimension_semantics<subcore_parallel>], iteration_bounds = array<i64: 2, 16>, scalar_prefetch = 0 : i64, scratch_operands = 5 : i64, tpu.core_type = #tpu.core_type<sc_vector_subcore>, window_params = [{transform_indices = #map}, {transform_indices = #map1}, {transform_indices = #map1}, {transform_indices = #map1}]} {
    %mul3A = arith.constant 2 : i32
    %mul3A_0 = arith.muli %arg1, %mul3A : i32
    %add3A = arith.addi %mul3A_0, %arg0 : i32
    %broadcast_in_dim3A = arith.constant 0 : i32
    %broadcast_in_dim3A_1 = vector.broadcast %broadcast_in_dim3A : i32 to vector<16xi32>
    %iota3A = tpu.iota {dimensions = array<i32: 0>} : vector<16xi32>
    %scan3A = arith.constant 0 : i32
    %scan3A_2 = arith.constant 0 : i32
    %scan3A_3 = arith.constant 64 : i32
    %scan3A_4 = arith.addi %scan3A_2, %scan3A_3 : i32
    %scan3A_5 = arith.constant 1 : i32
    scf.for %scan3A_7 = %scan3A_2 to %scan3A_4 step %scan3A_5  : i32 {
      %mul3A_8 = arith.constant 25600 : i32
      %mul3A_9 = arith.muli %add3A, %mul3A_8 : i32
      %mul3A_10 = arith.constant 400 : i32
      %mul3A_11 = arith.muli %scan3A_7, %mul3A_10 : i32
      %add3A_12 = arith.addi %mul3A_9, %mul3A_11 : i32
      "tpu.region"() ({
        %run_scoped3A = tpu.sem_alloc : memref<!tpu.dma_semaphore, #tpu.memory_space<semaphore_mem>>
        %dma_start3A_1103 = tpu.memref_slice %arg2[%add3A_12] : memref<819200xi32, #tpu.memory_space<hbm>> -> memref<400xi32, #tpu.memory_space<hbm>>
        %dma_start3A_1104 = tpu.memref_slice %arg2[%add3A_12] : memref<819200xi32, #tpu.memory_space<hbm>> -> memref<400xi32, #tpu.memory_space<hbm>>
        tpu.enqueue_dma source(%dma_start3A_1104 : memref<400xi32, #tpu.memory_space<hbm>>) target(%arg6 : memref<400xi32, #tpu.memory_space<vmem>>) target_semaphore(%run_scoped3A : memref<!tpu.dma_semaphore, #tpu.memory_space<semaphore_mem>>)
        %dma_wait3A_1105 = tpu.memref_slice %arg2[%add3A_12] : memref<819200xi32, #tpu.memory_space<hbm>> -> memref<400xi32, #tpu.memory_space<hbm>>
        %dma_wait3A_1106 = tpu.memref_slice %arg2[%add3A_12] : memref<819200xi32, #tpu.memory_space<hbm>> -> memref<400xi32, #tpu.memory_space<hbm>>
        tpu.wait_dma2 semaphore(%run_scoped3A : memref<!tpu.dma_semaphore, #tpu.memory_space<semaphore_mem>>) src(%dma_wait3A_1106 : memref<400xi32, #tpu.memory_space<hbm>>) dst(%arg6 : memref<400xi32, #tpu.memory_space<vmem>>)
        tpu.yield
      }) : () -> ()
      %get3A = arith.constant 0 : index
      %get3A_13 = tpu.vector_load %arg6[%get3A] {strides = array<i32>} : memref<400xi32, #tpu.memory_space<vmem>>, vector<16xi32>,
      %min3A = arith.constant 1 : i32
      %min3A_14 = vector.broadcast %min3A : i32 to vector<16xi32>
      %min3A_15 = arith.minsi %get3A_13, %min3A_14 : vector<16xi32>
      %broadcast_in_dim3A_16 = arith.constant true
      %broadcast_in_dim3A_17 = vector.broadcast %broadcast_in_dim3A_16 : i1 to vector<16xi1>
      %masked_cumsum3A = tpu.scan <sum>, %min3A_15 masked %broadcast_in_dim3A_17 : vector<16xi32>, vector<16xi1> -> vector<16xi32>
      %add3A_18 = arith.addi %masked_cumsum3A, %broadcast_in_dim3A_1 : vector<16xi32>
      %mul3A_19 = arith.muli %min3A_15, %add3A_18 : vector<16xi32>
      %dma_start3A = arith.constant 0 : i32
      %dma_start3A_20 = arith.constant 0 : i32
      %dma_start3A_21 = tpu.memref_slice %arg7[%dma_start3A, %dma_start3A_20] : memref<400x64xf32, #tpu.memory_space<vmem>> -> memref<16x64xf32, #tpu.memory_space<vmem>>
      %dma_start3A_22 = arith.constant 0 : i32
      %dma_start3A_23 = arith.constant 0 : i32
      %dma_start3A_24 = tpu.memref_slice %arg3[%dma_start3A_22, %dma_start3A_23] : memref<1000000x64xf32, #tpu.memory_space<hbm>> -> memref<1000000x64xf32, #tpu.memory_space<hbm>>
      tpu.enqueue_indirect_dma source(%dma_start3A_24 : memref<1000000x64xf32, #tpu.memory_space<hbm>>) target(%dma_start3A_21 : memref<16x64xf32, #tpu.memory_space<vmem>>) offsets(%get3A_13 : vector<16xi32>) semaphore(%arg9 : memref<!tpu.dma_semaphore, #tpu.memory_space<semaphore_mem>>)
      %dma_start3A_25 = arith.constant 0 : i32
      %dma_start3A_26 = arith.constant 0 : i32
      %dma_start3A_27 = tpu.memref_slice %arg8[%dma_start3A_25, %dma_start3A_26] : memref<400x64xf32, #tpu.memory_space<vmem>> -> memref<16x64xf32, #tpu.memory_space<vmem>>
      %dma_start3A_28 = arith.constant 0 : i32
      %dma_start3A_29 = arith.constant 0 : i32
      %dma_start3A_30 = tpu.memref_slice %arg4[%dma_start3A_28, %dma_start3A_29] : memref<201x64xf32, #tpu.memory_space<hbm>> -> memref<201x64xf32, #tpu.memory_space<hbm>>
      tpu.enqueue_indirect_dma source(%dma_start3A_30 : memref<201x64xf32, #tpu.memory_space<hbm>>) target(%dma_start3A_27 : memref<16x64xf32, #tpu.memory_space<vmem>>) offsets(%mul3A_19 : vector<16xi32>) semaphore(%arg10 : memref<!tpu.dma_semaphore, #tpu.memory_space<semaphore_mem>>)
      %reduce_sum3A = arith.constant true
      %reduce_sum3A_31 = vector.broadcast %reduce_sum3A : i1 to vector<16xi1>
      %reduce_sum3A_32 = tpu.scan <sum>, %min3A_15 masked %reduce_sum3A_31 : vector<16xi32>, vector<16xi1> -> vector<16xi32>
      %reduce_sum3A_33 = vector.extract %reduce_sum3A_32[15] : i32 from vector<16xi32>
      %broadcast_in_dim3A_34 = vector.broadcast %reduce_sum3A_33 : i32 to vector<16xi32>
      %add3A_35 = arith.addi %broadcast_in_dim3A_1, %broadcast_in_dim3A_34 : vector<16xi32>
      %get3A_36 = arith.constant 16 : index
      %get3A_37 = tpu.vector_load %arg6[%get3A_36] {strides = array<i32>} : memref<400xi32, #tpu.memory_space<vmem>>, vector<16xi32>,
      %min3A_38 = arith.constant 1 : i32
      %min3A_39 = vector.broadcast %min3A_38 : i32 to vector<16xi32>
      %min3A_40 = arith.minsi %get3A_37, %min3A_39 : vector<16xi32>
      %broadcast_in_dim3A_41 = arith.constant true
      %broadcast_in_dim3A_42 = vector.broadcast %broadcast_in_dim3A_41 : i1 to vector<16xi1>
      %masked_cumsum3A_43 = tpu.scan <sum>, %min3A_40 masked %broadcast_in_dim3A_42 : vector<16xi32>, vector<16xi1> -> vector<16xi32>
      %add3A_44 = arith.addi %masked_cumsum3A_43, %add3A_35 : vector<16xi32>
      %mul3A_45 = arith.muli %min3A_40, %add3A_44 : vector<16xi32>
      %dma_start3A_46 = arith.constant 16 : i32
      %dma_start3A_47 = arith.constant 0 : i32
      %dma_start3A_48 = tpu.memref_slice %arg7[%dma_start3A_46, %dma_start3A_47] : memref<400x64xf32, #tpu.memory_space<vmem>> -> memref<16x64xf32, #tpu.memory_space<vmem>>
      %dma_start3A_49 = arith.constant 0 : i32
      %dma_start3A_50 = arith.constant 0 : i32
      %dma_start3A_51 = tpu.memref_slice %arg3[%dma_start3A_49, %dma_start3A_50] : memref<1000000x64xf32, #tpu.memory_space<hbm>> -> memref<1000000x64xf32, #tpu.memory_space<hbm>>
      tpu.enqueue_indirect_dma source(%dma_start3A_51 : memref<1000000x64xf32, #tpu.memory_space<hbm>>) target(%dma_start3A_48 : memref<16x64xf32, #tpu.memory_space<vmem>>) offsets(%get3A_37 : vector<16xi32>) semaphore(%arg9 : memref<!tpu.dma_semaphore, #tpu.memory_space<semaphore_mem>>)
      %dma_start3A_52 = arith.constant 16 : i32
      %dma_start3A_53 = arith.constant 0 : i32
      %dma_start3A_54 = tpu.memref_slice %arg8[%dma_start3A_52, %dma_start3A_53] : memref<400x64xf32, #tpu.memory_space<vmem>> -> memref<16x64xf32, #tpu.memory_space<vmem>>
      %dma_start3A_55 = arith.constant 0 : i32
      %dma_start3A_56 = arith.constant 0 : i32
      %dma_start3A_57 = tpu.memref_slice %arg4[%dma_start3A_55, %dma_start3A_56] : memref<201x64xf32, #tpu.memory_space<hbm>> -> memref<201x64xf32, #tpu.memory_space<hbm>>
      tpu.enqueue_indirect_dma source(%dma_start3A_57 : memref<201x64xf32, #tpu.memory_space<hbm>>) target(%dma_start3A_54 : memref<16x64xf32, #tpu.memory_space<vmem>>) offsets(%mul3A_45 : vector<16xi32>) semaphore(%arg10 : memref<!tpu.dma_semaphore, #tpu.memory_space<semaphore_mem>>)
      %reduce_sum3A_58 = arith.constant true
      %reduce_sum3A_59 = vector.broadcast %reduce_sum3A_58 : i1 to vector<16xi1>
      %reduce_sum3A_60 = tpu.scan <sum>, %min3A_40 masked %reduce_sum3A_59 : vector<16xi32>, vector<16xi1> -> vector<16xi32>
      %reduce_sum3A_61 = vector.extract %reduce_sum3A_60[15] : i32 from vector<16xi32>
      %broadcast_in_dim3A_62 = vector.broadcast %reduce_sum3A_61 : i32 to vector<16xi32>
      %add3A_63 = arith.addi %add3A_35, %broadcast_in_dim3A_62 : vector<16xi32>
      %get3A_64 = arith.constant 32 : index
      %get3A_65 = tpu.vector_load %arg6[%get3A_64] {strides = array<i32>} : memref<400xi32, #tpu.memory_space<vmem>>, vector<16xi32>,
      %min3A_66 = arith.constant 1 : i32
      %min3A_67 = vector.broadcast %min3A_66 : i32 to vector<16xi32>
      %min3A_68 = arith.minsi %get3A_65, %min3A_67 : vector<16xi32>
      %broadcast_in_dim3A_69 = arith.constant true
      %broadcast_in_dim3A_70 = vector.broadcast %broadcast_in_dim3A_69 : i1 to vector<16xi1>
      %masked_cumsum3A_71 = tpu.scan <sum>, %min3A_68 masked %broadcast_in_dim3A_70 : vector<16xi32>, vector<16xi1> -> vector<16xi32>
      %add3A_72 = arith.addi %masked_cumsum3A_71, %add3A_63 : vector<16xi32>
      %mul3A_73 = arith.muli %min3A_68, %add3A_72 : vector<16xi32>
      %dma_start3A_74 = arith.constant 32 : i32
      %dma_start3A_75 = arith.constant 0 : i32
      %dma_start3A_76 = tpu.memref_slice %arg7[%dma_start3A_74, %dma_start3A_75] : memref<400x64xf32, #tpu.memory_space<vmem>> -> memref<16x64xf32, #tpu.memory_space<vmem>>
      %dma_start3A_77 = arith.constant 0 : i32
      %dma_start3A_78 = arith.constant 0 : i32
      %dma_start3A_79 = tpu.memref_slice %arg3[%dma_start3A_77, %dma_start3A_78] : memref<1000000x64xf32, #tpu.memory_space<hbm>> -> memref<1000000x64xf32, #tpu.memory_space<hbm>>
      tpu.enqueue_indirect_dma source(%dma_start3A_79 : memref<1000000x64xf32, #tpu.memory_space<hbm>>) target(%dma_start3A_76 : memref<16x64xf32, #tpu.memory_space<vmem>>) offsets(%get3A_65 : vector<16xi32>) semaphore(%arg9 : memref<!tpu.dma_semaphore, #tpu.memory_space<semaphore_mem>>)
      %dma_start3A_80 = arith.constant 32 : i32
      %dma_start3A_81 = arith.constant 0 : i32
      %dma_start3A_82 = tpu.memref_slice %arg8[%dma_start3A_80, %dma_start3A_81] : memref<400x64xf32, #tpu.memory_space<vmem>> -> memref<16x64xf32, #tpu.memory_space<vmem>>
      %dma_start3A_83 = arith.constant 0 : i32
      %dma_start3A_84 = arith.constant 0 : i32
      %dma_start3A_85 = tpu.memref_slice %arg4[%dma_start3A_83, %dma_start3A_84] : memref<201x64xf32, #tpu.memory_space<hbm>> -> memref<201x64xf32, #tpu.memory_space<hbm>>
      tpu.enqueue_indirect_dma source(%dma_start3A_85 : memref<201x64xf32, #tpu.memory_space<hbm>>) target(%dma_start3A_82 : memref<16x64xf32, #tpu.memory_space<vmem>>) offsets(%mul3A_73 : vector<16xi32>) semaphore(%arg10 : memref<!tpu.dma_semaphore, #tpu.memory_space<semaphore_mem>>)
      %reduce_sum3A_86 = arith.constant true
      %reduce_sum3A_87 = vector.broadcast %reduce_sum3A_86 : i1 to vector<16xi1>
      %reduce_sum3A_88 = tpu.scan <sum>, %min3A_68 masked %reduce_sum3A_87 : vector<16xi32>, vector<16xi1> -> vector<16xi32>
      %reduce_sum3A_89 = vector.extract %reduce_sum3A_88[15] : i32 from vector<16xi32>
      %broadcast_in_dim3A_90 = vector.broadcast %reduce_sum3A_89 : i32 to vector<16xi32>
      %add3A_91 = arith.addi %add3A_63, %broadcast_in_dim3A_90 : vector<16xi32>
      %get3A_92 = arith.constant 48 : index
      %get3A_93 = tpu.vector_load %arg6[%get3A_92] {strides = array<i32>} : memref<400xi32, #tpu.memory_space<vmem>>, vector<16xi32>,
      %min3A_94 = arith.constant 1 : i32
      %min3A_95 = vector.broadcast %min3A_94 : i32 to vector<16xi32>
      %min3A_96 = arith.minsi %get3A_93, %min3A_95 : vector<16xi32>
      %broadcast_in_dim3A_97 = arith.constant true
      %broadcast_in_dim3A_98 = vector.broadcast %broadcast_in_dim3A_97 : i1 to vector<16xi1>
      %masked_cumsum3A_99 = tpu.scan <sum>, %min3A_96 masked %broadcast_in_dim3A_98 : vector<16xi32>, vector<16xi1> -> vector<16xi32>
      %add3A_100 = arith.addi %masked_cumsum3A_99, %add3A_91 : vector<16xi32>
      %mul3A_101 = arith.muli %min3A_96, %add3A_100 : vector<16xi32>
      %dma_start3A_102 = arith.constant 48 : i32
      %dma_start3A_103 = arith.constant 0 : i32
      %dma_start3A_104 = tpu.memref_slice %arg7[%dma_start3A_102, %dma_start3A_103] : memref<400x64xf32, #tpu.memory_space<vmem>> -> memref<16x64xf32, #tpu.memory_space<vmem>>
      %dma_start3A_105 = arith.constant 0 : i32
      %dma_start3A_106 = arith.constant 0 : i32
      %dma_start3A_107 = tpu.memref_slice %arg3[%dma_start3A_105, %dma_start3A_106] : memref<1000000x64xf32, #tpu.memory_space<hbm>> -> memref<1000000x64xf32, #tpu.memory_space<hbm>>
      tpu.enqueue_indirect_dma source(%dma_start3A_107 : memref<1000000x64xf32, #tpu.memory_space<hbm>>) target(%dma_start3A_104 : memref<16x64xf32, #tpu.memory_space<vmem>>) offsets(%get3A_93 : vector<16xi32>) semaphore(%arg9 : memref<!tpu.dma_semaphore, #tpu.memory_space<semaphore_mem>>)
      %dma_start3A_108 = arith.constant 48 : i32
      %dma_start3A_109 = arith.constant 0 : i32
      %dma_start3A_110 = tpu.memref_slice %arg8[%dma_start3A_108, %dma_start3A_109] : memref<400x64xf32, #tpu.memory_space<vmem>> -> memref<16x64xf32, #tpu.memory_space<vmem>>
      %dma_start3A_111 = arith.constant 0 : i32
      %dma_start3A_112 = arith.constant 0 : i32
      %dma_start3A_113 = tpu.memref_slice %arg4[%dma_start3A_111, %dma_start3A_112] : memref<201x64xf32, #tpu.memory_space<hbm>> -> memref<201x64xf32, #tpu.memory_space<hbm>>
      tpu.enqueue_indirect_dma source(%dma_start3A_113 : memref<201x64xf32, #tpu.memory_space<hbm>>) target(%dma_start3A_110 : memref<16x64xf32, #tpu.memory_space<vmem>>) offsets(%mul3A_101 : vector<16xi32>) semaphore(%arg10 : memref<!tpu.dma_semaphore, #tpu.memory_space<semaphore_mem>>)
      %reduce_sum3A_114 = arith.constant true
      %reduce_sum3A_115 = vector.broadcast %reduce_sum3A_114 : i1 to vector<16xi1>
      %reduce_sum3A_116 = tpu.scan <sum>, %min3A_96 masked %reduce_sum3A_115 : vector<16xi32>, vector<16xi1> -> vector<16xi32>
      %reduce_sum3A_117 = vector.extract %reduce_sum3A_116[15] : i32 from vector<16xi32>
      %broadcast_in_dim3A_118 = vector.broadcast %reduce_sum3A_117 : i32 to vector<16xi32>
      %add3A_119 = arith.addi %add3A_91, %broadcast_in_dim3A_118 : vector<16xi32>
      %get3A_120 = arith.constant 64 : index
      %get3A_121 = tpu.vector_load %arg6[%get3A_120] {strides = array<i32>} : memref<400xi32, #tpu.memory_space<vmem>>, vector<16xi32>,
      %min3A_122 = arith.constant 1 : i32
      %min3A_123 = vector.broadcast %min3A_122 : i32 to vector<16xi32>
      %min3A_124 = arith.minsi %get3A_121, %min3A_123 : vector<16xi32>
      %broadcast_in_dim3A_125 = arith.constant true
      %broadcast_in_dim3A_126 = vector.broadcast %broadcast_in_dim3A_125 : i1 to vector<16xi1>
      %masked_cumsum3A_127 = tpu.scan <sum>, %min3A_124 masked %broadcast_in_dim3A_126 : vector<16xi32>, vector<16xi1> -> vector<16xi32>
      %add3A_128 = arith.addi %masked_cumsum3A_127, %add3A_119 : vector<16xi32>
      %mul3A_129 = arith.muli %min3A_124, %add3A_128 : vector<16xi32>
      %dma_start3A_130 = arith.constant 64 : i32
      %dma_start3A_131 = arith.constant 0 : i32
      %dma_start3A_132 = tpu.memref_slice %arg7[%dma_start3A_130, %dma_start3A_131] : memref<400x64xf32, #tpu.memory_space<vmem>> -> memref<16x64xf32, #tpu.memory_space<vmem>>
      %dma_start3A_133 = arith.constant 0 : i32
      %dma_start3A_134 = arith.constant 0 : i32
      %dma_start3A_135 = tpu.memref_slice %arg3[%dma_start3A_133, %dma_start3A_134] : memref<1000000x64xf32, #tpu.memory_space<hbm>> -> memref<1000000x64xf32, #tpu.memory_space<hbm>>
      tpu.enqueue_indirect_dma source(%dma_start3A_135 : memref<1000000x64xf32, #tpu.memory_space<hbm>>) target(%dma_start3A_132 : memref<16x64xf32, #tpu.memory_space<vmem>>) offsets(%get3A_121 : vector<16xi32>) semaphore(%arg9 : memref<!tpu.dma_semaphore, #tpu.memory_space<semaphore_mem>>)
      %dma_start3A_136 = arith.constant 64 : i32
      %dma_start3A_137 = arith.constant 0 : i32
      %dma_start3A_138 = tpu.memref_slice %arg8[%dma_start3A_136, %dma_start3A_137] : memref<400x64xf32, #tpu.memory_space<vmem>> -> memref<16x64xf32, #tpu.memory_space<vmem>>
      %dma_start3A_139 = arith.constant 0 : i32
      %dma_start3A_140 = arith.constant 0 : i32
      %dma_start3A_141 = tpu.memref_slice %arg4[%dma_start3A_139, %dma_start3A_140] : memref<201x64xf32, #tpu.memory_space<hbm>> -> memref<201x64xf32, #tpu.memory_space<hbm>>
      tpu.enqueue_indirect_dma source(%dma_start3A_141 : memref<201x64xf32, #tpu.memory_space<hbm>>) target(%dma_start3A_138 : memref<16x64xf32, #tpu.memory_space<vmem>>) offsets(%mul3A_129 : vector<16xi32>) semaphore(%arg10 : memref<!tpu.dma_semaphore, #tpu.memory_space<semaphore_mem>>)
      %reduce_sum3A_142 = arith.constant true
      %reduce_sum3A_143 = vector.broadcast %reduce_sum3A_142 : i1 to vector<16xi1>
      %reduce_sum3A_144 = tpu.scan <sum>, %min3A_124 masked %reduce_sum3A_143 : vector<16xi32>, vector<16xi1> -> vector<16xi32>
      %reduce_sum3A_145 = vector.extract %reduce_sum3A_144[15] : i32 from vector<16xi32>
      %broadcast_in_dim3A_146 = vector.broadcast %reduce_sum3A_145 : i32 to vector<16xi32>
      %add3A_147 = arith.addi %add3A_119, %broadcast_in_dim3A_146 : vector<16xi32>
      %get3A_148 = arith.constant 80 : index
      %get3A_149 = tpu.vector_load %arg6[%get3A_148] {strides = array<i32>} : memref<400xi32, #tpu.memory_space<vmem>>, vector<16xi32>,
      %min3A_150 = arith.constant 1 : i32
      %min3A_151 = vector.broadcast %min3A_150 : i32 to vector<16xi32>
      %min3A_152 = arith.minsi %get3A_149, %min3A_151 : vector<16xi32>
      %broadcast_in_dim3A_153 = arith.constant true
      %broadcast_in_dim3A_154 = vector.broadcast %broadcast_in_dim3A_153 : i1 to vector<16xi1>
      %masked_cumsum3A_155 = tpu.scan <sum>, %min3A_152 masked %broadcast_in_dim3A_154 : vector<16xi32>, vector<16xi1> -> vector<16xi32>
      %add3A_156 = arith.addi %masked_cumsum3A_155, %add3A_147 : vector<16xi32>
      %mul3A_157 = arith.muli %min3A_152, %add3A_156 : vector<16xi32>
      %dma_start3A_158 = arith.constant 80 : i32
      %dma_start3A_159 = arith.constant 0 : i32
      %dma_start3A_160 = tpu.memref_slice %arg7[%dma_start3A_158, %dma_start3A_159] : memref<400x64xf32, #tpu.memory_space<vmem>> -> memref<16x64xf32, #tpu.memory_space<vmem>>
      %dma_start3A_161 = arith.constant 0 : i32
      %dma_start3A_162 = arith.constant 0 : i32
      %dma_start3A_163 = tpu.memref_slice %arg3[%dma_start3A_161, %dma_start3A_162] : memref<1000000x64xf32, #tpu.memory_space<hbm>> -> memref<1000000x64xf32, #tpu.memory_space<hbm>>
      tpu.enqueue_indirect_dma source(%dma_start3A_163 : memref<1000000x64xf32, #tpu.memory_space<hbm>>) target(%dma_start3A_160 : memref<16x64xf32, #tpu.memory_space<vmem>>) offsets(%get3A_149 : vector<16xi32>) semaphore(%arg9 : memref<!tpu.dma_semaphore, #tpu.memory_space<semaphore_mem>>)
      %dma_start3A_164 = arith.constant 80 : i32
      %dma_start3A_165 = arith.constant 0 : i32
      %dma_start3A_166 = tpu.memref_slice %arg8[%dma_start3A_164, %dma_start3A_165] : memref<400x64xf32, #tpu.memory_space<vmem>> -> memref<16x64xf32, #tpu.memory_space<vmem>>
      %dma_start3A_167 = arith.constant 0 : i32
      %dma_start3A_168 = arith.constant 0 : i32
      %dma_start3A_169 = tpu.memref_slice %arg4[%dma_start3A_167, %dma_start3A_168] : memref<201x64xf32, #tpu.memory_space<hbm>> -> memref<201x64xf32, #tpu.memory_space<hbm>>
      tpu.enqueue_indirect_dma source(%dma_start3A_169 : memref<201x64xf32, #tpu.memory_space<hbm>>) target(%dma_start3A_166 : memref<16x64xf32, #tpu.memory_space<vmem>>) offsets(%mul3A_157 : vector<16xi32>) semaphore(%arg10 : memref<!tpu.dma_semaphore, #tpu.memory_space<semaphore_mem>>)
      %reduce_sum3A_170 = arith.constant true
      %reduce_sum3A_171 = vector.broadcast %reduce_sum3A_170 : i1 to vector<16xi1>
      %reduce_sum3A_172 = tpu.scan <sum>, %min3A_152 masked %reduce_sum3A_171 : vector<16xi32>, vector<16xi1> -> vector<16xi32>
      %reduce_sum3A_173 = vector.extract %reduce_sum3A_172[15] : i32 from vector<16xi32>
      %broadcast_in_dim3A_174 = vector.broadcast %reduce_sum3A_173 : i32 to vector<16xi32>
      %add3A_175 = arith.addi %add3A_147, %broadcast_in_dim3A_174 : vector<16xi32>
      %get3A_176 = arith.constant 96 : index
      %get3A_177 = tpu.vector_load %arg6[%get3A_176] {strides = array<i32>} : memref<400xi32, #tpu.memory_space<vmem>>, vector<16xi32>,
      %min3A_178 = arith.constant 1 : i32
      %min3A_179 = vector.broadcast %min3A_178 : i32 to vector<16xi32>
      %min3A_180 = arith.minsi %get3A_177, %min3A_179 : vector<16xi32>
      %broadcast_in_dim3A_181 = arith.constant true
      %broadcast_in_dim3A_182 = vector.broadcast %broadcast_in_dim3A_181 : i1 to vector<16xi1>
      %masked_cumsum3A_183 = tpu.scan <sum>, %min3A_180 masked %broadcast_in_dim3A_182 : vector<16xi32>, vector<16xi1> -> vector<16xi32>
      %add3A_184 = arith.addi %masked_cumsum3A_183, %add3A_175 : vector<16xi32>
      %mul3A_185 = arith.muli %min3A_180, %add3A_184 : vector<16xi32>
      %dma_start3A_186 = arith.constant 96 : i32
      %dma_start3A_187 = arith.constant 0 : i32
      %dma_start3A_188 = tpu.memref_slice %arg7[%dma_start3A_186, %dma_start3A_187] : memref<400x64xf32, #tpu.memory_space<vmem>> -> memref<16x64xf32, #tpu.memory_space<vmem>>
      %dma_start3A_189 = arith.constant 0 : i32
      %dma_start3A_190 = arith.constant 0 : i32
      %dma_start3A_191 = tpu.memref_slice %arg3[%dma_start3A_189, %dma_start3A_190] : memref<1000000x64xf32, #tpu.memory_space<hbm>> -> memref<1000000x64xf32, #tpu.memory_space<hbm>>
      tpu.enqueue_indirect_dma source(%dma_start3A_191 : memref<1000000x64xf32, #tpu.memory_space<hbm>>) target(%dma_start3A_188 : memref<16x64xf32, #tpu.memory_space<vmem>>) offsets(%get3A_177 : vector<16xi32>) semaphore(%arg9 : memref<!tpu.dma_semaphore, #tpu.memory_space<semaphore_mem>>)
      %dma_start3A_192 = arith.constant 96 : i32
      %dma_start3A_193 = arith.constant 0 : i32
      %dma_start3A_194 = tpu.memref_slice %arg8[%dma_start3A_192, %dma_start3A_193] : memref<400x64xf32, #tpu.memory_space<vmem>> -> memref<16x64xf32, #tpu.memory_space<vmem>>
      %dma_start3A_195 = arith.constant 0 : i32
      %dma_start3A_196 = arith.constant 0 : i32
      %dma_start3A_197 = tpu.memref_slice %arg4[%dma_start3A_195, %dma_start3A_196] : memref<201x64xf32, #tpu.memory_space<hbm>> -> memref<201x64xf32, #tpu.memory_space<hbm>>
      tpu.enqueue_indirect_dma source(%dma_start3A_197 : memref<201x64xf32, #tpu.memory_space<hbm>>) target(%dma_start3A_194 : memref<16x64xf32, #tpu.memory_space<vmem>>) offsets(%mul3A_185 : vector<16xi32>) semaphore(%arg10 : memref<!tpu.dma_semaphore, #tpu.memory_space<semaphore_mem>>)
      %reduce_sum3A_198 = arith.constant true
      %reduce_sum3A_199 = vector.broadcast %reduce_sum3A_198 : i1 to vector<16xi1>
      %reduce_sum3A_200 = tpu.scan <sum>, %min3A_180 masked %reduce_sum3A_199 : vector<16xi32>, vector<16xi1> -> vector<16xi32>
      %reduce_sum3A_201 = vector.extract %reduce_sum3A_200[15] : i32 from vector<16xi32>
      %broadcast_in_dim3A_202 = vector.broadcast %reduce_sum3A_201 : i32 to vector<16xi32>
      %add3A_203 = arith.addi %add3A_175, %broadcast_in_dim3A_202 : vector<16xi32>
      %get3A_204 = arith.constant 112 : index
      %get3A_205 = tpu.vector_load %arg6[%get3A_204] {strides = array<i32>} : memref<400xi32, #tpu.memory_space<vmem>>, vector<16xi32>,
      %min3A_206 = arith.constant 1 : i32
      %min3A_207 = vector.broadcast %min3A_206 : i32 to vector<16xi32>
      %min3A_208 = arith.minsi %get3A_205, %min3A_207 : vector<16xi32>
      %broadcast_in_dim3A_209 = arith.constant true
      %broadcast_in_dim3A_210 = vector.broadcast %broadcast_in_dim3A_209 : i1 to vector<16xi1>
      %masked_cumsum3A_211 = tpu.scan <sum>, %min3A_208 masked %broadcast_in_dim3A_210 : vector<16xi32>, vector<16xi1> -> vector<16xi32>
      %add3A_212 = arith.addi %masked_cumsum3A_211, %add3A_203 : vector<16xi32>
      %mul3A_213 = arith.muli %min3A_208, %add3A_212 : vector<16xi32>
      %dma_start3A_214 = arith.constant 112 : i32
      %dma_start3A_215 = arith.constant 0 : i32
      %dma_start3A_216 = tpu.memref_slice %arg7[%dma_start3A_214, %dma_start3A_215] : memref<400x64xf32, #tpu.memory_space<vmem>> -> memref<16x64xf32, #tpu.memory_space<vmem>>
      %dma_start3A_217 = arith.constant 0 : i32
      %dma_start3A_218 = arith.constant 0 : i32
      %dma_start3A_219 = tpu.memref_slice %arg3[%dma_start3A_217, %dma_start3A_218] : memref<1000000x64xf32, #tpu.memory_space<hbm>> -> memref<1000000x64xf32, #tpu.memory_space<hbm>>
      tpu.enqueue_indirect_dma source(%dma_start3A_219 : memref<1000000x64xf32, #tpu.memory_space<hbm>>) target(%dma_start3A_216 : memref<16x64xf32, #tpu.memory_space<vmem>>) offsets(%get3A_205 : vector<16xi32>) semaphore(%arg9 : memref<!tpu.dma_semaphore, #tpu.memory_space<semaphore_mem>>)
      %dma_start3A_220 = arith.constant 112 : i32
      %dma_start3A_221 = arith.constant 0 : i32
      %dma_start3A_222 = tpu.memref_slice %arg8[%dma_start3A_220, %dma_start3A_221] : memref<400x64xf32, #tpu.memory_space<vmem>> -> memref<16x64xf32, #tpu.memory_space<vmem>>
      %dma_start3A_223 = arith.constant 0 : i32
      %dma_start3A_224 = arith.constant 0 : i32
      %dma_start3A_225 = tpu.memref_slice %arg4[%dma_start3A_223, %dma_start3A_224] : memref<201x64xf32, #tpu.memory_space<hbm>> -> memref<201x64xf32, #tpu.memory_space<hbm>>
      tpu.enqueue_indirect_dma source(%dma_start3A_225 : memref<201x64xf32, #tpu.memory_space<hbm>>) target(%dma_start3A_222 : memref<16x64xf32, #tpu.memory_space<vmem>>) offsets(%mul3A_213 : vector<16xi32>) semaphore(%arg10 : memref<!tpu.dma_semaphore, #tpu.memory_space<semaphore_mem>>)
      %reduce_sum3A_226 = arith.constant true
      %reduce_sum3A_227 = vector.broadcast %reduce_sum3A_226 : i1 to vector<16xi1>
      %reduce_sum3A_228 = tpu.scan <sum>, %min3A_208 masked %reduce_sum3A_227 : vector<16xi32>, vector<16xi1> -> vector<16xi32>
      %reduce_sum3A_229 = vector.extract %reduce_sum3A_228[15] : i32 from vector<16xi32>
      %broadcast_in_dim3A_230 = vector.broadcast %reduce_sum3A_229 : i32 to vector<16xi32>
      %add3A_231 = arith.addi %add3A_203, %broadcast_in_dim3A_230 : vector<16xi32>
      %get3A_232 = arith.constant 128 : index
      %get3A_233 = tpu.vector_load %arg6[%get3A_232] {strides = array<i32>} : memref<400xi32, #tpu.memory_space<vmem>>, vector<16xi32>,
      %min3A_234 = arith.constant 1 : i32
      %min3A_235 = vector.broadcast %min3A_234 : i32 to vector<16xi32>
      %min3A_236 = arith.minsi %get3A_233, %min3A_235 : vector<16xi32>
      %broadcast_in_dim3A_237 = arith.constant true
      %broadcast_in_dim3A_238 = vector.broadcast %broadcast_in_dim3A_237 : i1 to vector<16xi1>
      %masked_cumsum3A_239 = tpu.scan <sum>, %min3A_236 masked %broadcast_in_dim3A_238 : vector<16xi32>, vector<16xi1> -> vector<16xi32>
      %add3A_240 = arith.addi %masked_cumsum3A_239, %add3A_231 : vector<16xi32>
      %mul3A_241 = arith.muli %min3A_236, %add3A_240 : vector<16xi32>
      %dma_start3A_242 = arith.constant 128 : i32
      %dma_start3A_243 = arith.constant 0 : i32
      %dma_start3A_244 = tpu.memref_slice %arg7[%dma_start3A_242, %dma_start3A_243] : memref<400x64xf32, #tpu.memory_space<vmem>> -> memref<16x64xf32, #tpu.memory_space<vmem>>
      %dma_start3A_245 = arith.constant 0 : i32
      %dma_start3A_246 = arith.constant 0 : i32
      %dma_start3A_247 = tpu.memref_slice %arg3[%dma_start3A_245, %dma_start3A_246] : memref<1000000x64xf32, #tpu.memory_space<hbm>> -> memref<1000000x64xf32, #tpu.memory_space<hbm>>
      tpu.enqueue_indirect_dma source(%dma_start3A_247 : memref<1000000x64xf32, #tpu.memory_space<hbm>>) target(%dma_start3A_244 : memref<16x64xf32, #tpu.memory_space<vmem>>) offsets(%get3A_233 : vector<16xi32>) semaphore(%arg9 : memref<!tpu.dma_semaphore, #tpu.memory_space<semaphore_mem>>)
      %dma_start3A_248 = arith.constant 128 : i32
      %dma_start3A_249 = arith.constant 0 : i32
      %dma_start3A_250 = tpu.memref_slice %arg8[%dma_start3A_248, %dma_start3A_249] : memref<400x64xf32, #tpu.memory_space<vmem>> -> memref<16x64xf32, #tpu.memory_space<vmem>>
      %dma_start3A_251 = arith.constant 0 : i32
      %dma_start3A_252 = arith.constant 0 : i32
      %dma_start3A_253 = tpu.memref_slice %arg4[%dma_start3A_251, %dma_start3A_252] : memref<201x64xf32, #tpu.memory_space<hbm>> -> memref<201x64xf32, #tpu.memory_space<hbm>>
      tpu.enqueue_indirect_dma source(%dma_start3A_253 : memref<201x64xf32, #tpu.memory_space<hbm>>) target(%dma_start3A_250 : memref<16x64xf32, #tpu.memory_space<vmem>>) offsets(%mul3A_241 : vector<16xi32>) semaphore(%arg10 : memref<!tpu.dma_semaphore, #tpu.memory_space<semaphore_mem>>)
      %reduce_sum3A_254 = arith.constant true
      %reduce_sum3A_255 = vector.broadcast %reduce_sum3A_254 : i1 to vector<16xi1>
      %reduce_sum3A_256 = tpu.scan <sum>, %min3A_236 masked %reduce_sum3A_255 : vector<16xi32>, vector<16xi1> -> vector<16xi32>
      %reduce_sum3A_257 = vector.extract %reduce_sum3A_256[15] : i32 from vector<16xi32>
      %broadcast_in_dim3A_258 = vector.broadcast %reduce_sum3A_257 : i32 to vector<16xi32>
      %add3A_259 = arith.addi %add3A_231, %broadcast_in_dim3A_258 : vector<16xi32>
      %get3A_260 = arith.constant 144 : index
      %get3A_261 = tpu.vector_load %arg6[%get3A_260] {strides = array<i32>} : memref<400xi32, #tpu.memory_space<vmem>>, vector<16xi32>,
      %min3A_262 = arith.constant 1 : i32
      %min3A_263 = vector.broadcast %min3A_262 : i32 to vector<16xi32>
      %min3A_264 = arith.minsi %get3A_261, %min3A_263 : vector<16xi32>
      %broadcast_in_dim3A_265 = arith.constant true
      %broadcast_in_dim3A_266 = vector.broadcast %broadcast_in_dim3A_265 : i1 to vector<16xi1>
      %masked_cumsum3A_267 = tpu.scan <sum>, %min3A_264 masked %broadcast_in_dim3A_266 : vector<16xi32>, vector<16xi1> -> vector<16xi32>
      %add3A_268 = arith.addi %masked_cumsum3A_267, %add3A_259 : vector<16xi32>
      %mul3A_269 = arith.muli %min3A_264, %add3A_268 : vector<16xi32>
      %dma_start3A_270 = arith.constant 144 : i32
      %dma_start3A_271 = arith.constant 0 : i32
      %dma_start3A_272 = tpu.memref_slice %arg7[%dma_start3A_270, %dma_start3A_271] : memref<400x64xf32, #tpu.memory_space<vmem>> -> memref<16x64xf32, #tpu.memory_space<vmem>>
      %dma_start3A_273 = arith.constant 0 : i32
      %dma_start3A_274 = arith.constant 0 : i32
      %dma_start3A_275 = tpu.memref_slice %arg3[%dma_start3A_273, %dma_start3A_274] : memref<1000000x64xf32, #tpu.memory_space<hbm>> -> memref<1000000x64xf32, #tpu.memory_space<hbm>>
      tpu.enqueue_indirect_dma source(%dma_start3A_275 : memref<1000000x64xf32, #tpu.memory_space<hbm>>) target(%dma_start3A_272 : memref<16x64xf32, #tpu.memory_space<vmem>>) offsets(%get3A_261 : vector<16xi32>) semaphore(%arg9 : memref<!tpu.dma_semaphore, #tpu.memory_space<semaphore_mem>>)
      %dma_start3A_276 = arith.constant 144 : i32
      %dma_start3A_277 = arith.constant 0 : i32
      %dma_start3A_278 = tpu.memref_slice %arg8[%dma_start3A_276, %dma_start3A_277] : memref<400x64xf32, #tpu.memory_space<vmem>> -> memref<16x64xf32, #tpu.memory_space<vmem>>
      %dma_start3A_279 = arith.constant 0 : i32
      %dma_start3A_280 = arith.constant 0 : i32
      %dma_start3A_281 = tpu.memref_slice %arg4[%dma_start3A_279, %dma_start3A_280] : memref<201x64xf32, #tpu.memory_space<hbm>> -> memref<201x64xf32, #tpu.memory_space<hbm>>
      tpu.enqueue_indirect_dma source(%dma_start3A_281 : memref<201x64xf32, #tpu.memory_space<hbm>>) target(%dma_start3A_278 : memref<16x64xf32, #tpu.memory_space<vmem>>) offsets(%mul3A_269 : vector<16xi32>) semaphore(%arg10 : memref<!tpu.dma_semaphore, #tpu.memory_space<semaphore_mem>>)
      %reduce_sum3A_282 = arith.constant true
      %reduce_sum3A_283 = vector.broadcast %reduce_sum3A_282 : i1 to vector<16xi1>
      %reduce_sum3A_284 = tpu.scan <sum>, %min3A_264 masked %reduce_sum3A_283 : vector<16xi32>, vector<16xi1> -> vector<16xi32>
      %reduce_sum3A_285 = vector.extract %reduce_sum3A_284[15] : i32 from vector<16xi32>
      %broadcast_in_dim3A_286 = vector.broadcast %reduce_sum3A_285 : i32 to vector<16xi32>
      %add3A_287 = arith.addi %add3A_259, %broadcast_in_dim3A_286 : vector<16xi32>
      %get3A_288 = arith.constant 160 : index
      %get3A_289 = tpu.vector_load %arg6[%get3A_288] {strides = array<i32>} : memref<400xi32, #tpu.memory_space<vmem>>, vector<16xi32>,
      %min3A_290 = arith.constant 1 : i32
      %min3A_291 = vector.broadcast %min3A_290 : i32 to vector<16xi32>
      %min3A_292 = arith.minsi %get3A_289, %min3A_291 : vector<16xi32>
      %broadcast_in_dim3A_293 = arith.constant true
      %broadcast_in_dim3A_294 = vector.broadcast %broadcast_in_dim3A_293 : i1 to vector<16xi1>
      %masked_cumsum3A_295 = tpu.scan <sum>, %min3A_292 masked %broadcast_in_dim3A_294 : vector<16xi32>, vector<16xi1> -> vector<16xi32>
      %add3A_296 = arith.addi %masked_cumsum3A_295, %add3A_287 : vector<16xi32>
      %mul3A_297 = arith.muli %min3A_292, %add3A_296 : vector<16xi32>
      %dma_start3A_298 = arith.constant 160 : i32
      %dma_start3A_299 = arith.constant 0 : i32
      %dma_start3A_300 = tpu.memref_slice %arg7[%dma_start3A_298, %dma_start3A_299] : memref<400x64xf32, #tpu.memory_space<vmem>> -> memref<16x64xf32, #tpu.memory_space<vmem>>
      %dma_start3A_301 = arith.constant 0 : i32
      %dma_start3A_302 = arith.constant 0 : i32
      %dma_start3A_303 = tpu.memref_slice %arg3[%dma_start3A_301, %dma_start3A_302] : memref<1000000x64xf32, #tpu.memory_space<hbm>> -> memref<1000000x64xf32, #tpu.memory_space<hbm>>
      tpu.enqueue_indirect_dma source(%dma_start3A_303 : memref<1000000x64xf32, #tpu.memory_space<hbm>>) target(%dma_start3A_300 : memref<16x64xf32, #tpu.memory_space<vmem>>) offsets(%get3A_289 : vector<16xi32>) semaphore(%arg9 : memref<!tpu.dma_semaphore, #tpu.memory_space<semaphore_mem>>)
      %dma_start3A_304 = arith.constant 160 : i32
      %dma_start3A_305 = arith.constant 0 : i32
      %dma_start3A_306 = tpu.memref_slice %arg8[%dma_start3A_304, %dma_start3A_305] : memref<400x64xf32, #tpu.memory_space<vmem>> -> memref<16x64xf32, #tpu.memory_space<vmem>>
      %dma_start3A_307 = arith.constant 0 : i32
      %dma_start3A_308 = arith.constant 0 : i32
      %dma_start3A_309 = tpu.memref_slice %arg4[%dma_start3A_307, %dma_start3A_308] : memref<201x64xf32, #tpu.memory_space<hbm>> -> memref<201x64xf32, #tpu.memory_space<hbm>>
      tpu.enqueue_indirect_dma source(%dma_start3A_309 : memref<201x64xf32, #tpu.memory_space<hbm>>) target(%dma_start3A_306 : memref<16x64xf32, #tpu.memory_space<vmem>>) offsets(%mul3A_297 : vector<16xi32>) semaphore(%arg10 : memref<!tpu.dma_semaphore, #tpu.memory_space<semaphore_mem>>)
      %reduce_sum3A_310 = arith.constant true
      %reduce_sum3A_311 = vector.broadcast %reduce_sum3A_310 : i1 to vector<16xi1>
      %reduce_sum3A_312 = tpu.scan <sum>, %min3A_292 masked %reduce_sum3A_311 : vector<16xi32>, vector<16xi1> -> vector<16xi32>
      %reduce_sum3A_313 = vector.extract %reduce_sum3A_312[15] : i32 from vector<16xi32>
      %broadcast_in_dim3A_314 = vector.broadcast %reduce_sum3A_313 : i32 to vector<16xi32>
      %add3A_315 = arith.addi %add3A_287, %broadcast_in_dim3A_314 : vector<16xi32>
      %get3A_316 = arith.constant 176 : index
      %get3A_317 = tpu.vector_load %arg6[%get3A_316] {strides = array<i32>} : memref<400xi32, #tpu.memory_space<vmem>>, vector<16xi32>,
      %min3A_318 = arith.constant 1 : i32
      %min3A_319 = vector.broadcast %min3A_318 : i32 to vector<16xi32>
      %min3A_320 = arith.minsi %get3A_317, %min3A_319 : vector<16xi32>
      %broadcast_in_dim3A_321 = arith.constant true
      %broadcast_in_dim3A_322 = vector.broadcast %broadcast_in_dim3A_321 : i1 to vector<16xi1>
      %masked_cumsum3A_323 = tpu.scan <sum>, %min3A_320 masked %broadcast_in_dim3A_322 : vector<16xi32>, vector<16xi1> -> vector<16xi32>
      %add3A_324 = arith.addi %masked_cumsum3A_323, %add3A_315 : vector<16xi32>
      %mul3A_325 = arith.muli %min3A_320, %add3A_324 : vector<16xi32>
      %dma_start3A_326 = arith.constant 176 : i32
      %dma_start3A_327 = arith.constant 0 : i32
      %dma_start3A_328 = tpu.memref_slice %arg7[%dma_start3A_326, %dma_start3A_327] : memref<400x64xf32, #tpu.memory_space<vmem>> -> memref<16x64xf32, #tpu.memory_space<vmem>>
      %dma_start3A_329 = arith.constant 0 : i32
      %dma_start3A_330 = arith.constant 0 : i32
      %dma_start3A_331 = tpu.memref_slice %arg3[%dma_start3A_329, %dma_start3A_330] : memref<1000000x64xf32, #tpu.memory_space<hbm>> -> memref<1000000x64xf32, #tpu.memory_space<hbm>>
      tpu.enqueue_indirect_dma source(%dma_start3A_331 : memref<1000000x64xf32, #tpu.memory_space<hbm>>) target(%dma_start3A_328 : memref<16x64xf32, #tpu.memory_space<vmem>>) offsets(%get3A_317 : vector<16xi32>) semaphore(%arg9 : memref<!tpu.dma_semaphore, #tpu.memory_space<semaphore_mem>>)
      %dma_start3A_332 = arith.constant 176 : i32
      %dma_start3A_333 = arith.constant 0 : i32
      %dma_start3A_334 = tpu.memref_slice %arg8[%dma_start3A_332, %dma_start3A_333] : memref<400x64xf32, #tpu.memory_space<vmem>> -> memref<16x64xf32, #tpu.memory_space<vmem>>
      %dma_start3A_335 = arith.constant 0 : i32
      %dma_start3A_336 = arith.constant 0 : i32
      %dma_start3A_337 = tpu.memref_slice %arg4[%dma_start3A_335, %dma_start3A_336] : memref<201x64xf32, #tpu.memory_space<hbm>> -> memref<201x64xf32, #tpu.memory_space<hbm>>
      tpu.enqueue_indirect_dma source(%dma_start3A_337 : memref<201x64xf32, #tpu.memory_space<hbm>>) target(%dma_start3A_334 : memref<16x64xf32, #tpu.memory_space<vmem>>) offsets(%mul3A_325 : vector<16xi32>) semaphore(%arg10 : memref<!tpu.dma_semaphore, #tpu.memory_space<semaphore_mem>>)
      %jit3A = arith.constant 8 : i32
      %div3A = vector.broadcast %jit3A : i32 to vector<16xi32>
      %div3A_338 = arith.divsi %iota3A, %div3A : vector<16xi32>
      %sign3A = arith.constant 0 : i32
      %sign3A_339 = vector.broadcast %sign3A : i32 to vector<16xi32>
      %sign3A_340 = arith.cmpi sgt, %iota3A, %sign3A_339 : vector<16xi32>
      %sign3A_341 = arith.extui %sign3A_340 : vector<16xi1> to vector<16xi32>
      %sign3A_342 = arith.constant 0 : i32
      %sign3A_343 = vector.broadcast %sign3A_342 : i32 to vector<16xi32>
      %sign3A_344 = arith.cmpi slt, %iota3A, %sign3A_343 : vector<16xi32>
      %sign3A_345 = arith.extui %sign3A_344 : vector<16xi1> to vector<16xi32>
      %sign3A_346 = arith.subi %sign3A_341, %sign3A_345 : vector<16xi32>
      %sign3A_347 = arith.constant 0 : i32
      %sign3A_348 = arith.cmpi sgt, %jit3A, %sign3A_347 : i32
      %sign3A_349 = arith.extui %sign3A_348 : i1 to i32
      %sign3A_350 = arith.constant 0 : i32
      %sign3A_351 = arith.cmpi slt, %jit3A, %sign3A_350 : i32
      %sign3A_352 = arith.extui %sign3A_351 : i1 to i32
      %sign3A_353 = arith.subi %sign3A_349, %sign3A_352 : i32
      %ne3A = vector.broadcast %sign3A_353 : i32 to vector<16xi32>
      %ne3A_354 = arith.cmpi ne, %sign3A_346, %ne3A : vector<16xi32>
      %rem3A = vector.broadcast %jit3A : i32 to vector<16xi32>
      %rem3A_355 = arith.remsi %iota3A, %rem3A : vector<16xi32>
      %ne3A_356 = arith.constant 0 : i32
      %ne3A_357 = vector.broadcast %ne3A_356 : i32 to vector<16xi32>
      %ne3A_358 = arith.cmpi ne, %rem3A_355, %ne3A_357 : vector<16xi32>
      %and3A = arith.andi %ne3A_354, %ne3A_358 : vector<16xi1>
      %sub3A = arith.constant 1 : i32
      %sub3A_359 = vector.broadcast %sub3A : i32 to vector<16xi32>
      %sub3A_360 = arith.subi %div3A_338, %sub3A_359 : vector<16xi32>
      %select_n3A = arith.select %and3A, %sub3A_360, %div3A_338 : vector<16xi1>, vector<16xi32>
      %sub3A_361 = arith.constant 1 : i32
      %sub3A_362 = vector.broadcast %sub3A_361 : i32 to vector<16xi32>
      %sub3A_363 = arith.subi %sub3A_362, %select_n3A : vector<16xi32>
      %mul3A_364 = arith.muli %min3A_320, %sub3A_363 : vector<16xi32>
      %reduce_sum3A_365 = arith.constant true
      %reduce_sum3A_366 = vector.broadcast %reduce_sum3A_365 : i1 to vector<16xi1>
      %reduce_sum3A_367 = tpu.scan <sum>, %mul3A_364 masked %reduce_sum3A_366 : vector<16xi32>, vector<16xi1> -> vector<16xi32>
      %reduce_sum3A_368 = vector.extract %reduce_sum3A_367[15] : i32 from vector<16xi32>
      %broadcast_in_dim3A_369 = vector.broadcast %reduce_sum3A_368 : i32 to vector<16xi32>
      %add3A_370 = arith.addi %add3A_315, %broadcast_in_dim3A_369 : vector<16xi32>
      %get3A_371 = arith.constant 184 : index
      %get3A_372 = tpu.vector_load %arg6[%get3A_371] {strides = array<i32>} : memref<400xi32, #tpu.memory_space<vmem>>, vector<16xi32>,
      %min3A_373 = arith.constant 1 : i32
      %min3A_374 = vector.broadcast %min3A_373 : i32 to vector<16xi32>
      %min3A_375 = arith.minsi %get3A_372, %min3A_374 : vector<16xi32>
      %broadcast_in_dim3A_376 = arith.constant true
      %broadcast_in_dim3A_377 = vector.broadcast %broadcast_in_dim3A_376 : i1 to vector<16xi1>
      %masked_cumsum3A_378 = tpu.scan <sum>, %min3A_375 masked %broadcast_in_dim3A_377 : vector<16xi32>, vector<16xi1> -> vector<16xi32>
      %add3A_379 = arith.addi %masked_cumsum3A_378, %add3A_370 : vector<16xi32>
      %mul3A_380 = arith.muli %min3A_375, %add3A_379 : vector<16xi32>
      %dma_start3A_381 = arith.constant 184 : i32
      %dma_start3A_382 = arith.constant 0 : i32
      %dma_start3A_383 = tpu.memref_slice %arg7[%dma_start3A_381, %dma_start3A_382] : memref<400x64xf32, #tpu.memory_space<vmem>> -> memref<16x64xf32, #tpu.memory_space<vmem>>
      %dma_start3A_384 = arith.constant 0 : i32
      %dma_start3A_385 = arith.constant 0 : i32
      %dma_start3A_386 = tpu.memref_slice %arg3[%dma_start3A_384, %dma_start3A_385] : memref<1000000x64xf32, #tpu.memory_space<hbm>> -> memref<1000000x64xf32, #tpu.memory_space<hbm>>
      tpu.enqueue_indirect_dma source(%dma_start3A_386 : memref<1000000x64xf32, #tpu.memory_space<hbm>>) target(%dma_start3A_383 : memref<16x64xf32, #tpu.memory_space<vmem>>) offsets(%get3A_372 : vector<16xi32>) semaphore(%arg9 : memref<!tpu.dma_semaphore, #tpu.memory_space<semaphore_mem>>)
      %dma_start3A_387 = arith.constant 184 : i32
      %dma_start3A_388 = arith.constant 0 : i32
      %dma_start3A_389 = tpu.memref_slice %arg8[%dma_start3A_387, %dma_start3A_388] : memref<400x64xf32, #tpu.memory_space<vmem>> -> memref<16x64xf32, #tpu.memory_space<vmem>>
      %dma_start3A_390 = arith.constant 0 : i32
      %dma_start3A_391 = arith.constant 0 : i32
      %dma_start3A_392 = tpu.memref_slice %arg4[%dma_start3A_390, %dma_start3A_391] : memref<201x64xf32, #tpu.memory_space<hbm>> -> memref<201x64xf32, #tpu.memory_space<hbm>>
      tpu.enqueue_indirect_dma source(%dma_start3A_392 : memref<201x64xf32, #tpu.memory_space<hbm>>) target(%dma_start3A_389 : memref<16x64xf32, #tpu.memory_space<vmem>>) offsets(%mul3A_380 : vector<16xi32>) semaphore(%arg10 : memref<!tpu.dma_semaphore, #tpu.memory_space<semaphore_mem>>)
      %get3A_393 = arith.constant 200 : index
      %get3A_394 = tpu.vector_load %arg6[%get3A_393] {strides = array<i32>} : memref<400xi32, #tpu.memory_space<vmem>>, vector<16xi32>,
      %min3A_395 = arith.constant 1 : i32
      %min3A_396 = vector.broadcast %min3A_395 : i32 to vector<16xi32>
      %min3A_397 = arith.minsi %get3A_394, %min3A_396 : vector<16xi32>
      %broadcast_in_dim3A_398 = arith.constant true
      %broadcast_in_dim3A_399 = vector.broadcast %broadcast_in_dim3A_398 : i1 to vector<16xi1>
      %masked_cumsum3A_400 = tpu.scan <sum>, %min3A_397 masked %broadcast_in_dim3A_399 : vector<16xi32>, vector<16xi1> -> vector<16xi32>
      %add3A_401 = arith.addi %masked_cumsum3A_400, %broadcast_in_dim3A_1 : vector<16xi32>
      %mul3A_402 = arith.muli %min3A_397, %add3A_401 : vector<16xi32>
      %dma_start3A_403 = arith.constant 200 : i32
      %dma_start3A_404 = arith.constant 0 : i32
      %dma_start3A_405 = tpu.memref_slice %arg7[%dma_start3A_403, %dma_start3A_404] : memref<400x64xf32, #tpu.memory_space<vmem>> -> memref<16x64xf32, #tpu.memory_space<vmem>>
      %dma_start3A_406 = arith.constant 0 : i32
      %dma_start3A_407 = arith.constant 0 : i32
      %dma_start3A_408 = tpu.memref_slice %arg3[%dma_start3A_406, %dma_start3A_407] : memref<1000000x64xf32, #tpu.memory_space<hbm>> -> memref<1000000x64xf32, #tpu.memory_space<hbm>>
      tpu.enqueue_indirect_dma source(%dma_start3A_408 : memref<1000000x64xf32, #tpu.memory_space<hbm>>) target(%dma_start3A_405 : memref<16x64xf32, #tpu.memory_space<vmem>>) offsets(%get3A_394 : vector<16xi32>) semaphore(%arg9 : memref<!tpu.dma_semaphore, #tpu.memory_space<semaphore_mem>>)
      %dma_start3A_409 = arith.constant 200 : i32
      %dma_start3A_410 = arith.constant 0 : i32
      %dma_start3A_411 = tpu.memref_slice %arg8[%dma_start3A_409, %dma_start3A_410] : memref<400x64xf32, #tpu.memory_space<vmem>> -> memref<16x64xf32, #tpu.memory_space<vmem>>
      %dma_start3A_412 = arith.constant 0 : i32
      %dma_start3A_413 = arith.constant 0 : i32
      %dma_start3A_414 = tpu.memref_slice %arg4[%dma_start3A_412, %dma_start3A_413] : memref<201x64xf32, #tpu.memory_space<hbm>> -> memref<201x64xf32, #tpu.memory_space<hbm>>
      tpu.enqueue_indirect_dma source(%dma_start3A_414 : memref<201x64xf32, #tpu.memory_space<hbm>>) target(%dma_start3A_411 : memref<16x64xf32, #tpu.memory_space<vmem>>) offsets(%mul3A_402 : vector<16xi32>) semaphore(%arg10 : memref<!tpu.dma_semaphore, #tpu.memory_space<semaphore_mem>>)
      %reduce_sum3A_415 = arith.constant true
      %reduce_sum3A_416 = vector.broadcast %reduce_sum3A_415 : i1 to vector<16xi1>
      %reduce_sum3A_417 = tpu.scan <sum>, %min3A_397 masked %reduce_sum3A_416 : vector<16xi32>, vector<16xi1> -> vector<16xi32>
      %reduce_sum3A_418 = vector.extract %reduce_sum3A_417[15] : i32 from vector<16xi32>
      %broadcast_in_dim3A_419 = vector.broadcast %reduce_sum3A_418 : i32 to vector<16xi32>
      %add3A_420 = arith.addi %broadcast_in_dim3A_1, %broadcast_in_dim3A_419 : vector<16xi32>
      %get3A_421 = arith.constant 216 : index
      %get3A_422 = tpu.vector_load %arg6[%get3A_421] {strides = array<i32>} : memref<400xi32, #tpu.memory_space<vmem>>, vector<16xi32>,
      %min3A_423 = arith.constant 1 : i32
      %min3A_424 = vector.broadcast %min3A_423 : i32 to vector<16xi32>
      %min3A_425 = arith.minsi %get3A_422, %min3A_424 : vector<16xi32>
      %broadcast_in_dim3A_426 = arith.constant true
      %broadcast_in_dim3A_427 = vector.broadcast %broadcast_in_dim3A_426 : i1 to vector<16xi1>
      %masked_cumsum3A_428 = tpu.scan <sum>, %min3A_425 masked %broadcast_in_dim3A_427 : vector<16xi32>, vector<16xi1> -> vector<16xi32>
      %add3A_429 = arith.addi %masked_cumsum3A_428, %add3A_420 : vector<16xi32>
      %mul3A_430 = arith.muli %min3A_425, %add3A_429 : vector<16xi32>
      %dma_start3A_431 = arith.constant 216 : i32
      %dma_start3A_432 = arith.constant 0 : i32
      %dma_start3A_433 = tpu.memref_slice %arg7[%dma_start3A_431, %dma_start3A_432] : memref<400x64xf32, #tpu.memory_space<vmem>> -> memref<16x64xf32, #tpu.memory_space<vmem>>
      %dma_start3A_434 = arith.constant 0 : i32
      %dma_start3A_435 = arith.constant 0 : i32
      %dma_start3A_436 = tpu.memref_slice %arg3[%dma_start3A_434, %dma_start3A_435] : memref<1000000x64xf32, #tpu.memory_space<hbm>> -> memref<1000000x64xf32, #tpu.memory_space<hbm>>
      tpu.enqueue_indirect_dma source(%dma_start3A_436 : memref<1000000x64xf32, #tpu.memory_space<hbm>>) target(%dma_start3A_433 : memref<16x64xf32, #tpu.memory_space<vmem>>) offsets(%get3A_422 : vector<16xi32>) semaphore(%arg9 : memref<!tpu.dma_semaphore, #tpu.memory_space<semaphore_mem>>)
      %dma_start3A_437 = arith.constant 216 : i32
      %dma_start3A_438 = arith.constant 0 : i32
      %dma_start3A_439 = tpu.memref_slice %arg8[%dma_start3A_437, %dma_start3A_438] : memref<400x64xf32, #tpu.memory_space<vmem>> -> memref<16x64xf32, #tpu.memory_space<vmem>>
      %dma_start3A_440 = arith.constant 0 : i32
      %dma_start3A_441 = arith.constant 0 : i32
      %dma_start3A_442 = tpu.memref_slice %arg4[%dma_start3A_440, %dma_start3A_441] : memref<201x64xf32, #tpu.memory_space<hbm>> -> memref<201x64xf32, #tpu.memory_space<hbm>>
      tpu.enqueue_indirect_dma source(%dma_start3A_442 : memref<201x64xf32, #tpu.memory_space<hbm>>) target(%dma_start3A_439 : memref<16x64xf32, #tpu.memory_space<vmem>>) offsets(%mul3A_430 : vector<16xi32>) semaphore(%arg10 : memref<!tpu.dma_semaphore, #tpu.memory_space<semaphore_mem>>)
      %reduce_sum3A_443 = arith.constant true
      %reduce_sum3A_444 = vector.broadcast %reduce_sum3A_443 : i1 to vector<16xi1>
      %reduce_sum3A_445 = tpu.scan <sum>, %min3A_425 masked %reduce_sum3A_444 : vector<16xi32>, vector<16xi1> -> vector<16xi32>
      %reduce_sum3A_446 = vector.extract %reduce_sum3A_445[15] : i32 from vector<16xi32>
      %broadcast_in_dim3A_447 = vector.broadcast %reduce_sum3A_446 : i32 to vector<16xi32>
      %add3A_448 = arith.addi %add3A_420, %broadcast_in_dim3A_447 : vector<16xi32>
      %get3A_449 = arith.constant 232 : index
      %get3A_450 = tpu.vector_load %arg6[%get3A_449] {strides = array<i32>} : memref<400xi32, #tpu.memory_space<vmem>>, vector<16xi32>,
      %min3A_451 = arith.constant 1 : i32
      %min3A_452 = vector.broadcast %min3A_451 : i32 to vector<16xi32>
      %min3A_453 = arith.minsi %get3A_450, %min3A_452 : vector<16xi32>
      %broadcast_in_dim3A_454 = arith.constant true
      %broadcast_in_dim3A_455 = vector.broadcast %broadcast_in_dim3A_454 : i1 to vector<16xi1>
      %masked_cumsum3A_456 = tpu.scan <sum>, %min3A_453 masked %broadcast_in_dim3A_455 : vector<16xi32>, vector<16xi1> -> vector<16xi32>
      %add3A_457 = arith.addi %masked_cumsum3A_456, %add3A_448 : vector<16xi32>
      %mul3A_458 = arith.muli %min3A_453, %add3A_457 : vector<16xi32>
      %dma_start3A_459 = arith.constant 232 : i32
      %dma_start3A_460 = arith.constant 0 : i32
      %dma_start3A_461 = tpu.memref_slice %arg7[%dma_start3A_459, %dma_start3A_460] : memref<400x64xf32, #tpu.memory_space<vmem>> -> memref<16x64xf32, #tpu.memory_space<vmem>>
      %dma_start3A_462 = arith.constant 0 : i32
      %dma_start3A_463 = arith.constant 0 : i32
      %dma_start3A_464 = tpu.memref_slice %arg3[%dma_start3A_462, %dma_start3A_463] : memref<1000000x64xf32, #tpu.memory_space<hbm>> -> memref<1000000x64xf32, #tpu.memory_space<hbm>>
      tpu.enqueue_indirect_dma source(%dma_start3A_464 : memref<1000000x64xf32, #tpu.memory_space<hbm>>) target(%dma_start3A_461 : memref<16x64xf32, #tpu.memory_space<vmem>>) offsets(%get3A_450 : vector<16xi32>) semaphore(%arg9 : memref<!tpu.dma_semaphore, #tpu.memory_space<semaphore_mem>>)
      %dma_start3A_465 = arith.constant 232 : i32
      %dma_start3A_466 = arith.constant 0 : i32
      %dma_start3A_467 = tpu.memref_slice %arg8[%dma_start3A_465, %dma_start3A_466] : memref<400x64xf32, #tpu.memory_space<vmem>> -> memref<16x64xf32, #tpu.memory_space<vmem>>
      %dma_start3A_468 = arith.constant 0 : i32
      %dma_start3A_469 = arith.constant 0 : i32
      %dma_start3A_470 = tpu.memref_slice %arg4[%dma_start3A_468, %dma_start3A_469] : memref<201x64xf32, #tpu.memory_space<hbm>> -> memref<201x64xf32, #tpu.memory_space<hbm>>
      tpu.enqueue_indirect_dma source(%dma_start3A_470 : memref<201x64xf32, #tpu.memory_space<hbm>>) target(%dma_start3A_467 : memref<16x64xf32, #tpu.memory_space<vmem>>) offsets(%mul3A_458 : vector<16xi32>) semaphore(%arg10 : memref<!tpu.dma_semaphore, #tpu.memory_space<semaphore_mem>>)
      %reduce_sum3A_471 = arith.constant true
      %reduce_sum3A_472 = vector.broadcast %reduce_sum3A_471 : i1 to vector<16xi1>
      %reduce_sum3A_473 = tpu.scan <sum>, %min3A_453 masked %reduce_sum3A_472 : vector<16xi32>, vector<16xi1> -> vector<16xi32>
      %reduce_sum3A_474 = vector.extract %reduce_sum3A_473[15] : i32 from vector<16xi32>
      %broadcast_in_dim3A_475 = vector.broadcast %reduce_sum3A_474 : i32 to vector<16xi32>
      %add3A_476 = arith.addi %add3A_448, %broadcast_in_dim3A_475 : vector<16xi32>
      %get3A_477 = arith.constant 248 : index
      %get3A_478 = tpu.vector_load %arg6[%get3A_477] {strides = array<i32>} : memref<400xi32, #tpu.memory_space<vmem>>, vector<16xi32>,
      %min3A_479 = arith.constant 1 : i32
      %min3A_480 = vector.broadcast %min3A_479 : i32 to vector<16xi32>
      %min3A_481 = arith.minsi %get3A_478, %min3A_480 : vector<16xi32>
      %broadcast_in_dim3A_482 = arith.constant true
      %broadcast_in_dim3A_483 = vector.broadcast %broadcast_in_dim3A_482 : i1 to vector<16xi1>
      %masked_cumsum3A_484 = tpu.scan <sum>, %min3A_481 masked %broadcast_in_dim3A_483 : vector<16xi32>, vector<16xi1> -> vector<16xi32>
      %add3A_485 = arith.addi %masked_cumsum3A_484, %add3A_476 : vector<16xi32>
      %mul3A_486 = arith.muli %min3A_481, %add3A_485 : vector<16xi32>
      %dma_start3A_487 = arith.constant 248 : i32
      %dma_start3A_488 = arith.constant 0 : i32
      %dma_start3A_489 = tpu.memref_slice %arg7[%dma_start3A_487, %dma_start3A_488] : memref<400x64xf32, #tpu.memory_space<vmem>> -> memref<16x64xf32, #tpu.memory_space<vmem>>
      %dma_start3A_490 = arith.constant 0 : i32
      %dma_start3A_491 = arith.constant 0 : i32
      %dma_start3A_492 = tpu.memref_slice %arg3[%dma_start3A_490, %dma_start3A_491] : memref<1000000x64xf32, #tpu.memory_space<hbm>> -> memref<1000000x64xf32, #tpu.memory_space<hbm>>
      tpu.enqueue_indirect_dma source(%dma_start3A_492 : memref<1000000x64xf32, #tpu.memory_space<hbm>>) target(%dma_start3A_489 : memref<16x64xf32, #tpu.memory_space<vmem>>) offsets(%get3A_478 : vector<16xi32>) semaphore(%arg9 : memref<!tpu.dma_semaphore, #tpu.memory_space<semaphore_mem>>)
      %dma_start3A_493 = arith.constant 248 : i32
      %dma_start3A_494 = arith.constant 0 : i32
      %dma_start3A_495 = tpu.memref_slice %arg8[%dma_start3A_493, %dma_start3A_494] : memref<400x64xf32, #tpu.memory_space<vmem>> -> memref<16x64xf32, #tpu.memory_space<vmem>>
      %dma_start3A_496 = arith.constant 0 : i32
      %dma_start3A_497 = arith.constant 0 : i32
      %dma_start3A_498 = tpu.memref_slice %arg4[%dma_start3A_496, %dma_start3A_497] : memref<201x64xf32, #tpu.memory_space<hbm>> -> memref<201x64xf32, #tpu.memory_space<hbm>>
      tpu.enqueue_indirect_dma source(%dma_start3A_498 : memref<201x64xf32, #tpu.memory_space<hbm>>) target(%dma_start3A_495 : memref<16x64xf32, #tpu.memory_space<vmem>>) offsets(%mul3A_486 : vector<16xi32>) semaphore(%arg10 : memref<!tpu.dma_semaphore, #tpu.memory_space<semaphore_mem>>)
      %reduce_sum3A_499 = arith.constant true
      %reduce_sum3A_500 = vector.broadcast %reduce_sum3A_499 : i1 to vector<16xi1>
      %reduce_sum3A_501 = tpu.scan <sum>, %min3A_481 masked %reduce_sum3A_500 : vector<16xi32>, vector<16xi1> -> vector<16xi32>
      %reduce_sum3A_502 = vector.extract %reduce_sum3A_501[15] : i32 from vector<16xi32>
      %broadcast_in_dim3A_503 = vector.broadcast %reduce_sum3A_502 : i32 to vector<16xi32>
      %add3A_504 = arith.addi %add3A_476, %broadcast_in_dim3A_503 : vector<16xi32>
      %get3A_505 = arith.constant 264 : index
      %get3A_506 = tpu.vector_load %arg6[%get3A_505] {strides = array<i32>} : memref<400xi32, #tpu.memory_space<vmem>>, vector<16xi32>,
      %min3A_507 = arith.constant 1 : i32
      %min3A_508 = vector.broadcast %min3A_507 : i32 to vector<16xi32>
      %min3A_509 = arith.minsi %get3A_506, %min3A_508 : vector<16xi32>
      %broadcast_in_dim3A_510 = arith.constant true
      %broadcast_in_dim3A_511 = vector.broadcast %broadcast_in_dim3A_510 : i1 to vector<16xi1>
      %masked_cumsum3A_512 = tpu.scan <sum>, %min3A_509 masked %broadcast_in_dim3A_511 : vector<16xi32>, vector<16xi1> -> vector<16xi32>
      %add3A_513 = arith.addi %masked_cumsum3A_512, %add3A_504 : vector<16xi32>
      %mul3A_514 = arith.muli %min3A_509, %add3A_513 : vector<16xi32>
      %dma_start3A_515 = arith.constant 264 : i32
      %dma_start3A_516 = arith.constant 0 : i32
      %dma_start3A_517 = tpu.memref_slice %arg7[%dma_start3A_515, %dma_start3A_516] : memref<400x64xf32, #tpu.memory_space<vmem>> -> memref<16x64xf32, #tpu.memory_space<vmem>>
      %dma_start3A_518 = arith.constant 0 : i32
      %dma_start3A_519 = arith.constant 0 : i32
      %dma_start3A_520 = tpu.memref_slice %arg3[%dma_start3A_518, %dma_start3A_519] : memref<1000000x64xf32, #tpu.memory_space<hbm>> -> memref<1000000x64xf32, #tpu.memory_space<hbm>>
      tpu.enqueue_indirect_dma source(%dma_start3A_520 : memref<1000000x64xf32, #tpu.memory_space<hbm>>) target(%dma_start3A_517 : memref<16x64xf32, #tpu.memory_space<vmem>>) offsets(%get3A_506 : vector<16xi32>) semaphore(%arg9 : memref<!tpu.dma_semaphore, #tpu.memory_space<semaphore_mem>>)
      %dma_start3A_521 = arith.constant 264 : i32
      %dma_start3A_522 = arith.constant 0 : i32
      %dma_start3A_523 = tpu.memref_slice %arg8[%dma_start3A_521, %dma_start3A_522] : memref<400x64xf32, #tpu.memory_space<vmem>> -> memref<16x64xf32, #tpu.memory_space<vmem>>
      %dma_start3A_524 = arith.constant 0 : i32
      %dma_start3A_525 = arith.constant 0 : i32
      %dma_start3A_526 = tpu.memref_slice %arg4[%dma_start3A_524, %dma_start3A_525] : memref<201x64xf32, #tpu.memory_space<hbm>> -> memref<201x64xf32, #tpu.memory_space<hbm>>
      tpu.enqueue_indirect_dma source(%dma_start3A_526 : memref<201x64xf32, #tpu.memory_space<hbm>>) target(%dma_start3A_523 : memref<16x64xf32, #tpu.memory_space<vmem>>) offsets(%mul3A_514 : vector<16xi32>) semaphore(%arg10 : memref<!tpu.dma_semaphore, #tpu.memory_space<semaphore_mem>>)
      %reduce_sum3A_527 = arith.constant true
      %reduce_sum3A_528 = vector.broadcast %reduce_sum3A_527 : i1 to vector<16xi1>
      %reduce_sum3A_529 = tpu.scan <sum>, %min3A_509 masked %reduce_sum3A_528 : vector<16xi32>, vector<16xi1> -> vector<16xi32>
      %reduce_sum3A_530 = vector.extract %reduce_sum3A_529[15] : i32 from vector<16xi32>
      %broadcast_in_dim3A_531 = vector.broadcast %reduce_sum3A_530 : i32 to vector<16xi32>
      %add3A_532 = arith.addi %add3A_504, %broadcast_in_dim3A_531 : vector<16xi32>
      %get3A_533 = arith.constant 280 : index
      %get3A_534 = tpu.vector_load %arg6[%get3A_533] {strides = array<i32>} : memref<400xi32, #tpu.memory_space<vmem>>, vector<16xi32>,
      %min3A_535 = arith.constant 1 : i32
      %min3A_536 = vector.broadcast %min3A_535 : i32 to vector<16xi32>
      %min3A_537 = arith.minsi %get3A_534, %min3A_536 : vector<16xi32>
      %broadcast_in_dim3A_538 = arith.constant true
      %broadcast_in_dim3A_539 = vector.broadcast %broadcast_in_dim3A_538 : i1 to vector<16xi1>
      %masked_cumsum3A_540 = tpu.scan <sum>, %min3A_537 masked %broadcast_in_dim3A_539 : vector<16xi32>, vector<16xi1> -> vector<16xi32>
      %add3A_541 = arith.addi %masked_cumsum3A_540, %add3A_532 : vector<16xi32>
      %mul3A_542 = arith.muli %min3A_537, %add3A_541 : vector<16xi32>
      %dma_start3A_543 = arith.constant 280 : i32
      %dma_start3A_544 = arith.constant 0 : i32
      %dma_start3A_545 = tpu.memref_slice %arg7[%dma_start3A_543, %dma_start3A_544] : memref<400x64xf32, #tpu.memory_space<vmem>> -> memref<16x64xf32, #tpu.memory_space<vmem>>
      %dma_start3A_546 = arith.constant 0 : i32
      %dma_start3A_547 = arith.constant 0 : i32
      %dma_start3A_548 = tpu.memref_slice %arg3[%dma_start3A_546, %dma_start3A_547] : memref<1000000x64xf32, #tpu.memory_space<hbm>> -> memref<1000000x64xf32, #tpu.memory_space<hbm>>
      tpu.enqueue_indirect_dma source(%dma_start3A_548 : memref<1000000x64xf32, #tpu.memory_space<hbm>>) target(%dma_start3A_545 : memref<16x64xf32, #tpu.memory_space<vmem>>) offsets(%get3A_534 : vector<16xi32>) semaphore(%arg9 : memref<!tpu.dma_semaphore, #tpu.memory_space<semaphore_mem>>)
      %dma_start3A_549 = arith.constant 280 : i32
      %dma_start3A_550 = arith.constant 0 : i32
      %dma_start3A_551 = tpu.memref_slice %arg8[%dma_start3A_549, %dma_start3A_550] : memref<400x64xf32, #tpu.memory_space<vmem>> -> memref<16x64xf32, #tpu.memory_space<vmem>>
      %dma_start3A_552 = arith.constant 0 : i32
      %dma_start3A_553 = arith.constant 0 : i32
      %dma_start3A_554 = tpu.memref_slice %arg4[%dma_start3A_552, %dma_start3A_553] : memref<201x64xf32, #tpu.memory_space<hbm>> -> memref<201x64xf32, #tpu.memory_space<hbm>>
      tpu.enqueue_indirect_dma source(%dma_start3A_554 : memref<201x64xf32, #tpu.memory_space<hbm>>) target(%dma_start3A_551 : memref<16x64xf32, #tpu.memory_space<vmem>>) offsets(%mul3A_542 : vector<16xi32>) semaphore(%arg10 : memref<!tpu.dma_semaphore, #tpu.memory_space<semaphore_mem>>)
      %reduce_sum3A_555 = arith.constant true
      %reduce_sum3A_556 = vector.broadcast %reduce_sum3A_555 : i1 to vector<16xi1>
      %reduce_sum3A_557 = tpu.scan <sum>, %min3A_537 masked %reduce_sum3A_556 : vector<16xi32>, vector<16xi1> -> vector<16xi32>
      %reduce_sum3A_558 = vector.extract %reduce_sum3A_557[15] : i32 from vector<16xi32>
      %broadcast_in_dim3A_559 = vector.broadcast %reduce_sum3A_558 : i32 to vector<16xi32>
      %add3A_560 = arith.addi %add3A_532, %broadcast_in_dim3A_559 : vector<16xi32>
      %get3A_561 = arith.constant 296 : index
      %get3A_562 = tpu.vector_load %arg6[%get3A_561] {strides = array<i32>} : memref<400xi32, #tpu.memory_space<vmem>>, vector<16xi32>,
      %min3A_563 = arith.constant 1 : i32
      %min3A_564 = vector.broadcast %min3A_563 : i32 to vector<16xi32>
      %min3A_565 = arith.minsi %get3A_562, %min3A_564 : vector<16xi32>
      %broadcast_in_dim3A_566 = arith.constant true
      %broadcast_in_dim3A_567 = vector.broadcast %broadcast_in_dim3A_566 : i1 to vector<16xi1>
      %masked_cumsum3A_568 = tpu.scan <sum>, %min3A_565 masked %broadcast_in_dim3A_567 : vector<16xi32>, vector<16xi1> -> vector<16xi32>
      %add3A_569 = arith.addi %masked_cumsum3A_568, %add3A_560 : vector<16xi32>
      %mul3A_570 = arith.muli %min3A_565, %add3A_569 : vector<16xi32>
      %dma_start3A_571 = arith.constant 296 : i32
      %dma_start3A_572 = arith.constant 0 : i32
      %dma_start3A_573 = tpu.memref_slice %arg7[%dma_start3A_571, %dma_start3A_572] : memref<400x64xf32, #tpu.memory_space<vmem>> -> memref<16x64xf32, #tpu.memory_space<vmem>>
      %dma_start3A_574 = arith.constant 0 : i32
      %dma_start3A_575 = arith.constant 0 : i32
      %dma_start3A_576 = tpu.memref_slice %arg3[%dma_start3A_574, %dma_start3A_575] : memref<1000000x64xf32, #tpu.memory_space<hbm>> -> memref<1000000x64xf32, #tpu.memory_space<hbm>>
      tpu.enqueue_indirect_dma source(%dma_start3A_576 : memref<1000000x64xf32, #tpu.memory_space<hbm>>) target(%dma_start3A_573 : memref<16x64xf32, #tpu.memory_space<vmem>>) offsets(%get3A_562 : vector<16xi32>) semaphore(%arg9 : memref<!tpu.dma_semaphore, #tpu.memory_space<semaphore_mem>>)
      %dma_start3A_577 = arith.constant 296 : i32
      %dma_start3A_578 = arith.constant 0 : i32
      %dma_start3A_579 = tpu.memref_slice %arg8[%dma_start3A_577, %dma_start3A_578] : memref<400x64xf32, #tpu.memory_space<vmem>> -> memref<16x64xf32, #tpu.memory_space<vmem>>
      %dma_start3A_580 = arith.constant 0 : i32
      %dma_start3A_581 = arith.constant 0 : i32
      %dma_start3A_582 = tpu.memref_slice %arg4[%dma_start3A_580, %dma_start3A_581] : memref<201x64xf32, #tpu.memory_space<hbm>> -> memref<201x64xf32, #tpu.memory_space<hbm>>
      tpu.enqueue_indirect_dma source(%dma_start3A_582 : memref<201x64xf32, #tpu.memory_space<hbm>>) target(%dma_start3A_579 : memref<16x64xf32, #tpu.memory_space<vmem>>) offsets(%mul3A_570 : vector<16xi32>) semaphore(%arg10 : memref<!tpu.dma_semaphore, #tpu.memory_space<semaphore_mem>>)
      %reduce_sum3A_583 = arith.constant true
      %reduce_sum3A_584 = vector.broadcast %reduce_sum3A_583 : i1 to vector<16xi1>
      %reduce_sum3A_585 = tpu.scan <sum>, %min3A_565 masked %reduce_sum3A_584 : vector<16xi32>, vector<16xi1> -> vector<16xi32>
      %reduce_sum3A_586 = vector.extract %reduce_sum3A_585[15] : i32 from vector<16xi32>
      %broadcast_in_dim3A_587 = vector.broadcast %reduce_sum3A_586 : i32 to vector<16xi32>
      %add3A_588 = arith.addi %add3A_560, %broadcast_in_dim3A_587 : vector<16xi32>
      %get3A_589 = arith.constant 312 : index
      %get3A_590 = tpu.vector_load %arg6[%get3A_589] {strides = array<i32>} : memref<400xi32, #tpu.memory_space<vmem>>, vector<16xi32>,
      %min3A_591 = arith.constant 1 : i32
      %min3A_592 = vector.broadcast %min3A_591 : i32 to vector<16xi32>
      %min3A_593 = arith.minsi %get3A_590, %min3A_592 : vector<16xi32>
      %broadcast_in_dim3A_594 = arith.constant true
      %broadcast_in_dim3A_595 = vector.broadcast %broadcast_in_dim3A_594 : i1 to vector<16xi1>
      %masked_cumsum3A_596 = tpu.scan <sum>, %min3A_593 masked %broadcast_in_dim3A_595 : vector<16xi32>, vector<16xi1> -> vector<16xi32>
      %add3A_597 = arith.addi %masked_cumsum3A_596, %add3A_588 : vector<16xi32>
      %mul3A_598 = arith.muli %min3A_593, %add3A_597 : vector<16xi32>
      %dma_start3A_599 = arith.constant 312 : i32
      %dma_start3A_600 = arith.constant 0 : i32
      %dma_start3A_601 = tpu.memref_slice %arg7[%dma_start3A_599, %dma_start3A_600] : memref<400x64xf32, #tpu.memory_space<vmem>> -> memref<16x64xf32, #tpu.memory_space<vmem>>
      %dma_start3A_602 = arith.constant 0 : i32
      %dma_start3A_603 = arith.constant 0 : i32
      %dma_start3A_604 = tpu.memref_slice %arg3[%dma_start3A_602, %dma_start3A_603] : memref<1000000x64xf32, #tpu.memory_space<hbm>> -> memref<1000000x64xf32, #tpu.memory_space<hbm>>
      tpu.enqueue_indirect_dma source(%dma_start3A_604 : memref<1000000x64xf32, #tpu.memory_space<hbm>>) target(%dma_start3A_601 : memref<16x64xf32, #tpu.memory_space<vmem>>) offsets(%get3A_590 : vector<16xi32>) semaphore(%arg9 : memref<!tpu.dma_semaphore, #tpu.memory_space<semaphore_mem>>)
      %dma_start3A_605 = arith.constant 312 : i32
      %dma_start3A_606 = arith.constant 0 : i32
      %dma_start3A_607 = tpu.memref_slice %arg8[%dma_start3A_605, %dma_start3A_606] : memref<400x64xf32, #tpu.memory_space<vmem>> -> memref<16x64xf32, #tpu.memory_space<vmem>>
      %dma_start3A_608 = arith.constant 0 : i32
      %dma_start3A_609 = arith.constant 0 : i32
      %dma_start3A_610 = tpu.memref_slice %arg4[%dma_start3A_608, %dma_start3A_609] : memref<201x64xf32, #tpu.memory_space<hbm>> -> memref<201x64xf32, #tpu.memory_space<hbm>>
      tpu.enqueue_indirect_dma source(%dma_start3A_610 : memref<201x64xf32, #tpu.memory_space<hbm>>) target(%dma_start3A_607 : memref<16x64xf32, #tpu.memory_space<vmem>>) offsets(%mul3A_598 : vector<16xi32>) semaphore(%arg10 : memref<!tpu.dma_semaphore, #tpu.memory_space<semaphore_mem>>)
      %reduce_sum3A_611 = arith.constant true
      %reduce_sum3A_612 = vector.broadcast %reduce_sum3A_611 : i1 to vector<16xi1>
      %reduce_sum3A_613 = tpu.scan <sum>, %min3A_593 masked %reduce_sum3A_612 : vector<16xi32>, vector<16xi1> -> vector<16xi32>
      %reduce_sum3A_614 = vector.extract %reduce_sum3A_613[15] : i32 from vector<16xi32>
      %broadcast_in_dim3A_615 = vector.broadcast %reduce_sum3A_614 : i32 to vector<16xi32>
      %add3A_616 = arith.addi %add3A_588, %broadcast_in_dim3A_615 : vector<16xi32>
      %get3A_617 = arith.constant 328 : index
      %get3A_618 = tpu.vector_load %arg6[%get3A_617] {strides = array<i32>} : memref<400xi32, #tpu.memory_space<vmem>>, vector<16xi32>,
      %min3A_619 = arith.constant 1 : i32
      %min3A_620 = vector.broadcast %min3A_619 : i32 to vector<16xi32>
      %min3A_621 = arith.minsi %get3A_618, %min3A_620 : vector<16xi32>
      %broadcast_in_dim3A_622 = arith.constant true
      %broadcast_in_dim3A_623 = vector.broadcast %broadcast_in_dim3A_622 : i1 to vector<16xi1>
      %masked_cumsum3A_624 = tpu.scan <sum>, %min3A_621 masked %broadcast_in_dim3A_623 : vector<16xi32>, vector<16xi1> -> vector<16xi32>
      %add3A_625 = arith.addi %masked_cumsum3A_624, %add3A_616 : vector<16xi32>
      %mul3A_626 = arith.muli %min3A_621, %add3A_625 : vector<16xi32>
      %dma_start3A_627 = arith.constant 328 : i32
      %dma_start3A_628 = arith.constant 0 : i32
      %dma_start3A_629 = tpu.memref_slice %arg7[%dma_start3A_627, %dma_start3A_628] : memref<400x64xf32, #tpu.memory_space<vmem>> -> memref<16x64xf32, #tpu.memory_space<vmem>>
      %dma_start3A_630 = arith.constant 0 : i32
      %dma_start3A_631 = arith.constant 0 : i32
      %dma_start3A_632 = tpu.memref_slice %arg3[%dma_start3A_630, %dma_start3A_631] : memref<1000000x64xf32, #tpu.memory_space<hbm>> -> memref<1000000x64xf32, #tpu.memory_space<hbm>>
      tpu.enqueue_indirect_dma source(%dma_start3A_632 : memref<1000000x64xf32, #tpu.memory_space<hbm>>) target(%dma_start3A_629 : memref<16x64xf32, #tpu.memory_space<vmem>>) offsets(%get3A_618 : vector<16xi32>) semaphore(%arg9 : memref<!tpu.dma_semaphore, #tpu.memory_space<semaphore_mem>>)
      %dma_start3A_633 = arith.constant 328 : i32
      %dma_start3A_634 = arith.constant 0 : i32
      %dma_start3A_635 = tpu.memref_slice %arg8[%dma_start3A_633, %dma_start3A_634] : memref<400x64xf32, #tpu.memory_space<vmem>> -> memref<16x64xf32, #tpu.memory_space<vmem>>
      %dma_start3A_636 = arith.constant 0 : i32
      %dma_start3A_637 = arith.constant 0 : i32
      %dma_start3A_638 = tpu.memref_slice %arg4[%dma_start3A_636, %dma_start3A_637] : memref<201x64xf32, #tpu.memory_space<hbm>> -> memref<201x64xf32, #tpu.memory_space<hbm>>
      tpu.enqueue_indirect_dma source(%dma_start3A_638 : memref<201x64xf32, #tpu.memory_space<hbm>>) target(%dma_start3A_635 : memref<16x64xf32, #tpu.memory_space<vmem>>) offsets(%mul3A_626 : vector<16xi32>) semaphore(%arg10 : memref<!tpu.dma_semaphore, #tpu.memory_space<semaphore_mem>>)
      %reduce_sum3A_639 = arith.constant true
      %reduce_sum3A_640 = vector.broadcast %reduce_sum3A_639 : i1 to vector<16xi1>
      %reduce_sum3A_641 = tpu.scan <sum>, %min3A_621 masked %reduce_sum3A_640 : vector<16xi32>, vector<16xi1> -> vector<16xi32>
      %reduce_sum3A_642 = vector.extract %reduce_sum3A_641[15] : i32 from vector<16xi32>
      %broadcast_in_dim3A_643 = vector.broadcast %reduce_sum3A_642 : i32 to vector<16xi32>
      %add3A_644 = arith.addi %add3A_616, %broadcast_in_dim3A_643 : vector<16xi32>
      %get3A_645 = arith.constant 344 : index
      %get3A_646 = tpu.vector_load %arg6[%get3A_645] {strides = array<i32>} : memref<400xi32, #tpu.memory_space<vmem>>, vector<16xi32>,
      %min3A_647 = arith.constant 1 : i32
      %min3A_648 = vector.broadcast %min3A_647 : i32 to vector<16xi32>
      %min3A_649 = arith.minsi %get3A_646, %min3A_648 : vector<16xi32>
      %broadcast_in_dim3A_650 = arith.constant true
      %broadcast_in_dim3A_651 = vector.broadcast %broadcast_in_dim3A_650 : i1 to vector<16xi1>
      %masked_cumsum3A_652 = tpu.scan <sum>, %min3A_649 masked %broadcast_in_dim3A_651 : vector<16xi32>, vector<16xi1> -> vector<16xi32>
      %add3A_653 = arith.addi %masked_cumsum3A_652, %add3A_644 : vector<16xi32>
      %mul3A_654 = arith.muli %min3A_649, %add3A_653 : vector<16xi32>
      %dma_start3A_655 = arith.constant 344 : i32
      %dma_start3A_656 = arith.constant 0 : i32
      %dma_start3A_657 = tpu.memref_slice %arg7[%dma_start3A_655, %dma_start3A_656] : memref<400x64xf32, #tpu.memory_space<vmem>> -> memref<16x64xf32, #tpu.memory_space<vmem>>
      %dma_start3A_658 = arith.constant 0 : i32
      %dma_start3A_659 = arith.constant 0 : i32
      %dma_start3A_660 = tpu.memref_slice %arg3[%dma_start3A_658, %dma_start3A_659] : memref<1000000x64xf32, #tpu.memory_space<hbm>> -> memref<1000000x64xf32, #tpu.memory_space<hbm>>
      tpu.enqueue_indirect_dma source(%dma_start3A_660 : memref<1000000x64xf32, #tpu.memory_space<hbm>>) target(%dma_start3A_657 : memref<16x64xf32, #tpu.memory_space<vmem>>) offsets(%get3A_646 : vector<16xi32>) semaphore(%arg9 : memref<!tpu.dma_semaphore, #tpu.memory_space<semaphore_mem>>)
      %dma_start3A_661 = arith.constant 344 : i32
      %dma_start3A_662 = arith.constant 0 : i32
      %dma_start3A_663 = tpu.memref_slice %arg8[%dma_start3A_661, %dma_start3A_662] : memref<400x64xf32, #tpu.memory_space<vmem>> -> memref<16x64xf32, #tpu.memory_space<vmem>>
      %dma_start3A_664 = arith.constant 0 : i32
      %dma_start3A_665 = arith.constant 0 : i32
      %dma_start3A_666 = tpu.memref_slice %arg4[%dma_start3A_664, %dma_start3A_665] : memref<201x64xf32, #tpu.memory_space<hbm>> -> memref<201x64xf32, #tpu.memory_space<hbm>>
      tpu.enqueue_indirect_dma source(%dma_start3A_666 : memref<201x64xf32, #tpu.memory_space<hbm>>) target(%dma_start3A_663 : memref<16x64xf32, #tpu.memory_space<vmem>>) offsets(%mul3A_654 : vector<16xi32>) semaphore(%arg10 : memref<!tpu.dma_semaphore, #tpu.memory_space<semaphore_mem>>)
      %reduce_sum3A_667 = arith.constant true
      %reduce_sum3A_668 = vector.broadcast %reduce_sum3A_667 : i1 to vector<16xi1>
      %reduce_sum3A_669 = tpu.scan <sum>, %min3A_649 masked %reduce_sum3A_668 : vector<16xi32>, vector<16xi1> -> vector<16xi32>
      %reduce_sum3A_670 = vector.extract %reduce_sum3A_669[15] : i32 from vector<16xi32>
      %broadcast_in_dim3A_671 = vector.broadcast %reduce_sum3A_670 : i32 to vector<16xi32>
      %add3A_672 = arith.addi %add3A_644, %broadcast_in_dim3A_671 : vector<16xi32>
      %get3A_673 = arith.constant 360 : index
      %get3A_674 = tpu.vector_load %arg6[%get3A_673] {strides = array<i32>} : memref<400xi32, #tpu.memory_space<vmem>>, vector<16xi32>,
      %min3A_675 = arith.constant 1 : i32
      %min3A_676 = vector.broadcast %min3A_675 : i32 to vector<16xi32>
      %min3A_677 = arith.minsi %get3A_674, %min3A_676 : vector<16xi32>
      %broadcast_in_dim3A_678 = arith.constant true
      %broadcast_in_dim3A_679 = vector.broadcast %broadcast_in_dim3A_678 : i1 to vector<16xi1>
      %masked_cumsum3A_680 = tpu.scan <sum>, %min3A_677 masked %broadcast_in_dim3A_679 : vector<16xi32>, vector<16xi1> -> vector<16xi32>
      %add3A_681 = arith.addi %masked_cumsum3A_680, %add3A_672 : vector<16xi32>
      %mul3A_682 = arith.muli %min3A_677, %add3A_681 : vector<16xi32>
      %dma_start3A_683 = arith.constant 360 : i32
      %dma_start3A_684 = arith.constant 0 : i32
      %dma_start3A_685 = tpu.memref_slice %arg7[%dma_start3A_683, %dma_start3A_684] : memref<400x64xf32, #tpu.memory_space<vmem>> -> memref<16x64xf32, #tpu.memory_space<vmem>>
      %dma_start3A_686 = arith.constant 0 : i32
      %dma_start3A_687 = arith.constant 0 : i32
      %dma_start3A_688 = tpu.memref_slice %arg3[%dma_start3A_686, %dma_start3A_687] : memref<1000000x64xf32, #tpu.memory_space<hbm>> -> memref<1000000x64xf32, #tpu.memory_space<hbm>>
      tpu.enqueue_indirect_dma source(%dma_start3A_688 : memref<1000000x64xf32, #tpu.memory_space<hbm>>) target(%dma_start3A_685 : memref<16x64xf32, #tpu.memory_space<vmem>>) offsets(%get3A_674 : vector<16xi32>) semaphore(%arg9 : memref<!tpu.dma_semaphore, #tpu.memory_space<semaphore_mem>>)
      %dma_start3A_689 = arith.constant 360 : i32
      %dma_start3A_690 = arith.constant 0 : i32
      %dma_start3A_691 = tpu.memref_slice %arg8[%dma_start3A_689, %dma_start3A_690] : memref<400x64xf32, #tpu.memory_space<vmem>> -> memref<16x64xf32, #tpu.memory_space<vmem>>
      %dma_start3A_692 = arith.constant 0 : i32
      %dma_start3A_693 = arith.constant 0 : i32
      %dma_start3A_694 = tpu.memref_slice %arg4[%dma_start3A_692, %dma_start3A_693] : memref<201x64xf32, #tpu.memory_space<hbm>> -> memref<201x64xf32, #tpu.memory_space<hbm>>
      tpu.enqueue_indirect_dma source(%dma_start3A_694 : memref<201x64xf32, #tpu.memory_space<hbm>>) target(%dma_start3A_691 : memref<16x64xf32, #tpu.memory_space<vmem>>) offsets(%mul3A_682 : vector<16xi32>) semaphore(%arg10 : memref<!tpu.dma_semaphore, #tpu.memory_space<semaphore_mem>>)
      %reduce_sum3A_695 = arith.constant true
      %reduce_sum3A_696 = vector.broadcast %reduce_sum3A_695 : i1 to vector<16xi1>
      %reduce_sum3A_697 = tpu.scan <sum>, %min3A_677 masked %reduce_sum3A_696 : vector<16xi32>, vector<16xi1> -> vector<16xi32>
      %reduce_sum3A_698 = vector.extract %reduce_sum3A_697[15] : i32 from vector<16xi32>
      %broadcast_in_dim3A_699 = vector.broadcast %reduce_sum3A_698 : i32 to vector<16xi32>
      %add3A_700 = arith.addi %add3A_672, %broadcast_in_dim3A_699 : vector<16xi32>
      %get3A_701 = arith.constant 376 : index
      %get3A_702 = tpu.vector_load %arg6[%get3A_701] {strides = array<i32>} : memref<400xi32, #tpu.memory_space<vmem>>, vector<16xi32>,
      %min3A_703 = arith.constant 1 : i32
      %min3A_704 = vector.broadcast %min3A_703 : i32 to vector<16xi32>
      %min3A_705 = arith.minsi %get3A_702, %min3A_704 : vector<16xi32>
      %broadcast_in_dim3A_706 = arith.constant true
      %broadcast_in_dim3A_707 = vector.broadcast %broadcast_in_dim3A_706 : i1 to vector<16xi1>
      %masked_cumsum3A_708 = tpu.scan <sum>, %min3A_705 masked %broadcast_in_dim3A_707 : vector<16xi32>, vector<16xi1> -> vector<16xi32>
      %add3A_709 = arith.addi %masked_cumsum3A_708, %add3A_700 : vector<16xi32>
      %mul3A_710 = arith.muli %min3A_705, %add3A_709 : vector<16xi32>
      %dma_start3A_711 = arith.constant 376 : i32
      %dma_start3A_712 = arith.constant 0 : i32
      %dma_start3A_713 = tpu.memref_slice %arg7[%dma_start3A_711, %dma_start3A_712] : memref<400x64xf32, #tpu.memory_space<vmem>> -> memref<16x64xf32, #tpu.memory_space<vmem>>
      %dma_start3A_714 = arith.constant 0 : i32
      %dma_start3A_715 = arith.constant 0 : i32
      %dma_start3A_716 = tpu.memref_slice %arg3[%dma_start3A_714, %dma_start3A_715] : memref<1000000x64xf32, #tpu.memory_space<hbm>> -> memref<1000000x64xf32, #tpu.memory_space<hbm>>
      tpu.enqueue_indirect_dma source(%dma_start3A_716 : memref<1000000x64xf32, #tpu.memory_space<hbm>>) target(%dma_start3A_713 : memref<16x64xf32, #tpu.memory_space<vmem>>) offsets(%get3A_702 : vector<16xi32>) semaphore(%arg9 : memref<!tpu.dma_semaphore, #tpu.memory_space<semaphore_mem>>)
      %dma_start3A_717 = arith.constant 376 : i32
      %dma_start3A_718 = arith.constant 0 : i32
      %dma_start3A_719 = tpu.memref_slice %arg8[%dma_start3A_717, %dma_start3A_718] : memref<400x64xf32, #tpu.memory_space<vmem>> -> memref<16x64xf32, #tpu.memory_space<vmem>>
      %dma_start3A_720 = arith.constant 0 : i32
      %dma_start3A_721 = arith.constant 0 : i32
      %dma_start3A_722 = tpu.memref_slice %arg4[%dma_start3A_720, %dma_start3A_721] : memref<201x64xf32, #tpu.memory_space<hbm>> -> memref<201x64xf32, #tpu.memory_space<hbm>>
      tpu.enqueue_indirect_dma source(%dma_start3A_722 : memref<201x64xf32, #tpu.memory_space<hbm>>) target(%dma_start3A_719 : memref<16x64xf32, #tpu.memory_space<vmem>>) offsets(%mul3A_710 : vector<16xi32>) semaphore(%arg10 : memref<!tpu.dma_semaphore, #tpu.memory_space<semaphore_mem>>)
      %jit3A_723 = arith.constant 8 : i32
      %div3A_724 = vector.broadcast %jit3A_723 : i32 to vector<16xi32>
      %div3A_725 = arith.divsi %iota3A, %div3A_724 : vector<16xi32>
      %sign3A_726 = arith.constant 0 : i32
      %sign3A_727 = vector.broadcast %sign3A_726 : i32 to vector<16xi32>
      %sign3A_728 = arith.cmpi sgt, %iota3A, %sign3A_727 : vector<16xi32>
      %sign3A_729 = arith.extui %sign3A_728 : vector<16xi1> to vector<16xi32>
      %sign3A_730 = arith.constant 0 : i32
      %sign3A_731 = vector.broadcast %sign3A_730 : i32 to vector<16xi32>
      %sign3A_732 = arith.cmpi slt, %iota3A, %sign3A_731 : vector<16xi32>
      %sign3A_733 = arith.extui %sign3A_732 : vector<16xi1> to vector<16xi32>
      %sign3A_734 = arith.subi %sign3A_729, %sign3A_733 : vector<16xi32>
      %sign3A_735 = arith.constant 0 : i32
      %sign3A_736 = arith.cmpi sgt, %jit3A_723, %sign3A_735 : i32
      %sign3A_737 = arith.extui %sign3A_736 : i1 to i32
      %sign3A_738 = arith.constant 0 : i32
      %sign3A_739 = arith.cmpi slt, %jit3A_723, %sign3A_738 : i32
      %sign3A_740 = arith.extui %sign3A_739 : i1 to i32
      %sign3A_741 = arith.subi %sign3A_737, %sign3A_740 : i32
      %ne3A_742 = vector.broadcast %sign3A_741 : i32 to vector<16xi32>
      %ne3A_743 = arith.cmpi ne, %sign3A_734, %ne3A_742 : vector<16xi32>
      %rem3A_744 = vector.broadcast %jit3A_723 : i32 to vector<16xi32>
      %rem3A_745 = arith.remsi %iota3A, %rem3A_744 : vector<16xi32>
      %ne3A_746 = arith.constant 0 : i32
      %ne3A_747 = vector.broadcast %ne3A_746 : i32 to vector<16xi32>
      %ne3A_748 = arith.cmpi ne, %rem3A_745, %ne3A_747 : vector<16xi32>
      %and3A_749 = arith.andi %ne3A_743, %ne3A_748 : vector<16xi1>
      %sub3A_750 = arith.constant 1 : i32
      %sub3A_751 = vector.broadcast %sub3A_750 : i32 to vector<16xi32>
      %sub3A_752 = arith.subi %div3A_725, %sub3A_751 : vector<16xi32>
      %select_n3A_753 = arith.select %and3A_749, %sub3A_752, %div3A_725 : vector<16xi1>, vector<16xi32>
      %sub3A_754 = arith.constant 1 : i32
      %sub3A_755 = vector.broadcast %sub3A_754 : i32 to vector<16xi32>
      %sub3A_756 = arith.subi %sub3A_755, %select_n3A_753 : vector<16xi32>
      %mul3A_757 = arith.muli %min3A_705, %sub3A_756 : vector<16xi32>
      %reduce_sum3A_758 = arith.constant true
      %reduce_sum3A_759 = vector.broadcast %reduce_sum3A_758 : i1 to vector<16xi1>
      %reduce_sum3A_760 = tpu.scan <sum>, %mul3A_757 masked %reduce_sum3A_759 : vector<16xi32>, vector<16xi1> -> vector<16xi32>
      %reduce_sum3A_761 = vector.extract %reduce_sum3A_760[15] : i32 from vector<16xi32>
      %broadcast_in_dim3A_762 = vector.broadcast %reduce_sum3A_761 : i32 to vector<16xi32>
      %add3A_763 = arith.addi %add3A_700, %broadcast_in_dim3A_762 : vector<16xi32>
      %get3A_764 = arith.constant 384 : index
      %get3A_765 = tpu.vector_load %arg6[%get3A_764] {strides = array<i32>} : memref<400xi32, #tpu.memory_space<vmem>>, vector<16xi32>,
      %min3A_766 = arith.constant 1 : i32
      %min3A_767 = vector.broadcast %min3A_766 : i32 to vector<16xi32>
      %min3A_768 = arith.minsi %get3A_765, %min3A_767 : vector<16xi32>
      %broadcast_in_dim3A_769 = arith.constant true
      %broadcast_in_dim3A_770 = vector.broadcast %broadcast_in_dim3A_769 : i1 to vector<16xi1>
      %masked_cumsum3A_771 = tpu.scan <sum>, %min3A_768 masked %broadcast_in_dim3A_770 : vector<16xi32>, vector<16xi1> -> vector<16xi32>
      %add3A_772 = arith.addi %masked_cumsum3A_771, %add3A_763 : vector<16xi32>
      %mul3A_773 = arith.muli %min3A_768, %add3A_772 : vector<16xi32>
      %dma_start3A_774 = arith.constant 384 : i32
      %dma_start3A_775 = arith.constant 0 : i32
      %dma_start3A_776 = tpu.memref_slice %arg7[%dma_start3A_774, %dma_start3A_775] : memref<400x64xf32, #tpu.memory_space<vmem>> -> memref<16x64xf32, #tpu.memory_space<vmem>>
      %dma_start3A_777 = arith.constant 0 : i32
      %dma_start3A_778 = arith.constant 0 : i32
      %dma_start3A_779 = tpu.memref_slice %arg3[%dma_start3A_777, %dma_start3A_778] : memref<1000000x64xf32, #tpu.memory_space<hbm>> -> memref<1000000x64xf32, #tpu.memory_space<hbm>>
      tpu.enqueue_indirect_dma source(%dma_start3A_779 : memref<1000000x64xf32, #tpu.memory_space<hbm>>) target(%dma_start3A_776 : memref<16x64xf32, #tpu.memory_space<vmem>>) offsets(%get3A_765 : vector<16xi32>) semaphore(%arg9 : memref<!tpu.dma_semaphore, #tpu.memory_space<semaphore_mem>>)
      %dma_start3A_780 = arith.constant 384 : i32
      %dma_start3A_781 = arith.constant 0 : i32
      %dma_start3A_782 = tpu.memref_slice %arg8[%dma_start3A_780, %dma_start3A_781] : memref<400x64xf32, #tpu.memory_space<vmem>> -> memref<16x64xf32, #tpu.memory_space<vmem>>
      %dma_start3A_783 = arith.constant 0 : i32
      %dma_start3A_784 = arith.constant 0 : i32
      %dma_start3A_785 = tpu.memref_slice %arg4[%dma_start3A_783, %dma_start3A_784] : memref<201x64xf32, #tpu.memory_space<hbm>> -> memref<201x64xf32, #tpu.memory_space<hbm>>
      tpu.enqueue_indirect_dma source(%dma_start3A_785 : memref<201x64xf32, #tpu.memory_space<hbm>>) target(%dma_start3A_782 : memref<16x64xf32, #tpu.memory_space<vmem>>) offsets(%mul3A_773 : vector<16xi32>) semaphore(%arg10 : memref<!tpu.dma_semaphore, #tpu.memory_space<semaphore_mem>>)
      %dma_wait3A = arith.constant 0 : i32
      %dma_wait3A_786 = arith.constant 0 : i32
      %dma_wait3A_787 = tpu.memref_slice %arg7[%dma_wait3A, %dma_wait3A_786] : memref<400x64xf32, #tpu.memory_space<vmem>> -> memref<16x64xf32, #tpu.memory_space<vmem>>
      %dma_wait3A_788 = arith.constant 0 : i32
      %dma_wait3A_789 = arith.constant 0 : i32
      %dma_wait3A_790 = tpu.memref_slice %arg3[%dma_wait3A_788, %dma_wait3A_789] : memref<1000000x64xf32, #tpu.memory_space<hbm>> -> memref<1000000x64xf32, #tpu.memory_space<hbm>>
      tpu.wait_indirect_dma semaphore(%arg9 : memref<!tpu.dma_semaphore, #tpu.memory_space<semaphore_mem>>) src(%dma_wait3A_790 : memref<1000000x64xf32, #tpu.memory_space<hbm>>) dst(%dma_wait3A_787 : memref<16x64xf32, #tpu.memory_space<vmem>>)
      %dma_wait3A_791 = arith.constant 0 : i32
      %dma_wait3A_792 = arith.constant 0 : i32
      %dma_wait3A_793 = tpu.memref_slice %arg8[%dma_wait3A_791, %dma_wait3A_792] : memref<400x64xf32, #tpu.memory_space<vmem>> -> memref<16x64xf32, #tpu.memory_space<vmem>>
      %dma_wait3A_794 = arith.constant 0 : i32
      %dma_wait3A_795 = arith.constant 0 : i32
      %dma_wait3A_796 = tpu.memref_slice %arg4[%dma_wait3A_794, %dma_wait3A_795] : memref<201x64xf32, #tpu.memory_space<hbm>> -> memref<201x64xf32, #tpu.memory_space<hbm>>
      tpu.wait_indirect_dma semaphore(%arg10 : memref<!tpu.dma_semaphore, #tpu.memory_space<semaphore_mem>>) src(%dma_wait3A_796 : memref<201x64xf32, #tpu.memory_space<hbm>>) dst(%dma_wait3A_793 : memref<16x64xf32, #tpu.memory_space<vmem>>)
      %dma_wait3A_797 = arith.constant 16 : i32
      %dma_wait3A_798 = arith.constant 0 : i32
      %dma_wait3A_799 = tpu.memref_slice %arg7[%dma_wait3A_797, %dma_wait3A_798] : memref<400x64xf32, #tpu.memory_space<vmem>> -> memref<16x64xf32, #tpu.memory_space<vmem>>
      %dma_wait3A_800 = arith.constant 0 : i32
      %dma_wait3A_801 = arith.constant 0 : i32
      %dma_wait3A_802 = tpu.memref_slice %arg3[%dma_wait3A_800, %dma_wait3A_801] : memref<1000000x64xf32, #tpu.memory_space<hbm>> -> memref<1000000x64xf32, #tpu.memory_space<hbm>>
      tpu.wait_indirect_dma semaphore(%arg9 : memref<!tpu.dma_semaphore, #tpu.memory_space<semaphore_mem>>) src(%dma_wait3A_802 : memref<1000000x64xf32, #tpu.memory_space<hbm>>) dst(%dma_wait3A_799 : memref<16x64xf32, #tpu.memory_space<vmem>>)
      %dma_wait3A_803 = arith.constant 16 : i32
      %dma_wait3A_804 = arith.constant 0 : i32
      %dma_wait3A_805 = tpu.memref_slice %arg8[%dma_wait3A_803, %dma_wait3A_804] : memref<400x64xf32, #tpu.memory_space<vmem>> -> memref<16x64xf32, #tpu.memory_space<vmem>>
      %dma_wait3A_806 = arith.constant 0 : i32
      %dma_wait3A_807 = arith.constant 0 : i32
      %dma_wait3A_808 = tpu.memref_slice %arg4[%dma_wait3A_806, %dma_wait3A_807] : memref<201x64xf32, #tpu.memory_space<hbm>> -> memref<201x64xf32, #tpu.memory_space<hbm>>
      tpu.wait_indirect_dma semaphore(%arg10 : memref<!tpu.dma_semaphore, #tpu.memory_space<semaphore_mem>>) src(%dma_wait3A_808 : memref<201x64xf32, #tpu.memory_space<hbm>>) dst(%dma_wait3A_805 : memref<16x64xf32, #tpu.memory_space<vmem>>)
      %dma_wait3A_809 = arith.constant 32 : i32
      %dma_wait3A_810 = arith.constant 0 : i32
      %dma_wait3A_811 = tpu.memref_slice %arg7[%dma_wait3A_809, %dma_wait3A_810] : memref<400x64xf32, #tpu.memory_space<vmem>> -> memref<16x64xf32, #tpu.memory_space<vmem>>
      %dma_wait3A_812 = arith.constant 0 : i32
      %dma_wait3A_813 = arith.constant 0 : i32
      %dma_wait3A_814 = tpu.memref_slice %arg3[%dma_wait3A_812, %dma_wait3A_813] : memref<1000000x64xf32, #tpu.memory_space<hbm>> -> memref<1000000x64xf32, #tpu.memory_space<hbm>>
      tpu.wait_indirect_dma semaphore(%arg9 : memref<!tpu.dma_semaphore, #tpu.memory_space<semaphore_mem>>) src(%dma_wait3A_814 : memref<1000000x64xf32, #tpu.memory_space<hbm>>) dst(%dma_wait3A_811 : memref<16x64xf32, #tpu.memory_space<vmem>>)
      %dma_wait3A_815 = arith.constant 32 : i32
      %dma_wait3A_816 = arith.constant 0 : i32
      %dma_wait3A_817 = tpu.memref_slice %arg8[%dma_wait3A_815, %dma_wait3A_816] : memref<400x64xf32, #tpu.memory_space<vmem>> -> memref<16x64xf32, #tpu.memory_space<vmem>>
      %dma_wait3A_818 = arith.constant 0 : i32
      %dma_wait3A_819 = arith.constant 0 : i32
      %dma_wait3A_820 = tpu.memref_slice %arg4[%dma_wait3A_818, %dma_wait3A_819] : memref<201x64xf32, #tpu.memory_space<hbm>> -> memref<201x64xf32, #tpu.memory_space<hbm>>
      tpu.wait_indirect_dma semaphore(%arg10 : memref<!tpu.dma_semaphore, #tpu.memory_space<semaphore_mem>>) src(%dma_wait3A_820 : memref<201x64xf32, #tpu.memory_space<hbm>>) dst(%dma_wait3A_817 : memref<16x64xf32, #tpu.memory_space<vmem>>)
      %dma_wait3A_821 = arith.constant 48 : i32
      %dma_wait3A_822 = arith.constant 0 : i32
      %dma_wait3A_823 = tpu.memref_slice %arg7[%dma_wait3A_821, %dma_wait3A_822] : memref<400x64xf32, #tpu.memory_space<vmem>> -> memref<16x64xf32, #tpu.memory_space<vmem>>
      %dma_wait3A_824 = arith.constant 0 : i32
      %dma_wait3A_825 = arith.constant 0 : i32
      %dma_wait3A_826 = tpu.memref_slice %arg3[%dma_wait3A_824, %dma_wait3A_825] : memref<1000000x64xf32, #tpu.memory_space<hbm>> -> memref<1000000x64xf32, #tpu.memory_space<hbm>>
      tpu.wait_indirect_dma semaphore(%arg9 : memref<!tpu.dma_semaphore, #tpu.memory_space<semaphore_mem>>) src(%dma_wait3A_826 : memref<1000000x64xf32, #tpu.memory_space<hbm>>) dst(%dma_wait3A_823 : memref<16x64xf32, #tpu.memory_space<vmem>>)
      %dma_wait3A_827 = arith.constant 48 : i32
      %dma_wait3A_828 = arith.constant 0 : i32
      %dma_wait3A_829 = tpu.memref_slice %arg8[%dma_wait3A_827, %dma_wait3A_828] : memref<400x64xf32, #tpu.memory_space<vmem>> -> memref<16x64xf32, #tpu.memory_space<vmem>>
      %dma_wait3A_830 = arith.constant 0 : i32
      %dma_wait3A_831 = arith.constant 0 : i32
      %dma_wait3A_832 = tpu.memref_slice %arg4[%dma_wait3A_830, %dma_wait3A_831] : memref<201x64xf32, #tpu.memory_space<hbm>> -> memref<201x64xf32, #tpu.memory_space<hbm>>
      tpu.wait_indirect_dma semaphore(%arg10 : memref<!tpu.dma_semaphore, #tpu.memory_space<semaphore_mem>>) src(%dma_wait3A_832 : memref<201x64xf32, #tpu.memory_space<hbm>>) dst(%dma_wait3A_829 : memref<16x64xf32, #tpu.memory_space<vmem>>)
      %dma_wait3A_833 = arith.constant 64 : i32
      %dma_wait3A_834 = arith.constant 0 : i32
      %dma_wait3A_835 = tpu.memref_slice %arg7[%dma_wait3A_833, %dma_wait3A_834] : memref<400x64xf32, #tpu.memory_space<vmem>> -> memref<16x64xf32, #tpu.memory_space<vmem>>
      %dma_wait3A_836 = arith.constant 0 : i32
      %dma_wait3A_837 = arith.constant 0 : i32
      %dma_wait3A_838 = tpu.memref_slice %arg3[%dma_wait3A_836, %dma_wait3A_837] : memref<1000000x64xf32, #tpu.memory_space<hbm>> -> memref<1000000x64xf32, #tpu.memory_space<hbm>>
      tpu.wait_indirect_dma semaphore(%arg9 : memref<!tpu.dma_semaphore, #tpu.memory_space<semaphore_mem>>) src(%dma_wait3A_838 : memref<1000000x64xf32, #tpu.memory_space<hbm>>) dst(%dma_wait3A_835 : memref<16x64xf32, #tpu.memory_space<vmem>>)
      %dma_wait3A_839 = arith.constant 64 : i32
      %dma_wait3A_840 = arith.constant 0 : i32
      %dma_wait3A_841 = tpu.memref_slice %arg8[%dma_wait3A_839, %dma_wait3A_840] : memref<400x64xf32, #tpu.memory_space<vmem>> -> memref<16x64xf32, #tpu.memory_space<vmem>>
      %dma_wait3A_842 = arith.constant 0 : i32
      %dma_wait3A_843 = arith.constant 0 : i32
      %dma_wait3A_844 = tpu.memref_slice %arg4[%dma_wait3A_842, %dma_wait3A_843] : memref<201x64xf32, #tpu.memory_space<hbm>> -> memref<201x64xf32, #tpu.memory_space<hbm>>
      tpu.wait_indirect_dma semaphore(%arg10 : memref<!tpu.dma_semaphore, #tpu.memory_space<semaphore_mem>>) src(%dma_wait3A_844 : memref<201x64xf32, #tpu.memory_space<hbm>>) dst(%dma_wait3A_841 : memref<16x64xf32, #tpu.memory_space<vmem>>)
      %dma_wait3A_845 = arith.constant 80 : i32
      %dma_wait3A_846 = arith.constant 0 : i32
      %dma_wait3A_847 = tpu.memref_slice %arg7[%dma_wait3A_845, %dma_wait3A_846] : memref<400x64xf32, #tpu.memory_space<vmem>> -> memref<16x64xf32, #tpu.memory_space<vmem>>
      %dma_wait3A_848 = arith.constant 0 : i32
      %dma_wait3A_849 = arith.constant 0 : i32
      %dma_wait3A_850 = tpu.memref_slice %arg3[%dma_wait3A_848, %dma_wait3A_849] : memref<1000000x64xf32, #tpu.memory_space<hbm>> -> memref<1000000x64xf32, #tpu.memory_space<hbm>>
      tpu.wait_indirect_dma semaphore(%arg9 : memref<!tpu.dma_semaphore, #tpu.memory_space<semaphore_mem>>) src(%dma_wait3A_850 : memref<1000000x64xf32, #tpu.memory_space<hbm>>) dst(%dma_wait3A_847 : memref<16x64xf32, #tpu.memory_space<vmem>>)
      %dma_wait3A_851 = arith.constant 80 : i32
      %dma_wait3A_852 = arith.constant 0 : i32
      %dma_wait3A_853 = tpu.memref_slice %arg8[%dma_wait3A_851, %dma_wait3A_852] : memref<400x64xf32, #tpu.memory_space<vmem>> -> memref<16x64xf32, #tpu.memory_space<vmem>>
      %dma_wait3A_854 = arith.constant 0 : i32
      %dma_wait3A_855 = arith.constant 0 : i32
      %dma_wait3A_856 = tpu.memref_slice %arg4[%dma_wait3A_854, %dma_wait3A_855] : memref<201x64xf32, #tpu.memory_space<hbm>> -> memref<201x64xf32, #tpu.memory_space<hbm>>
      tpu.wait_indirect_dma semaphore(%arg10 : memref<!tpu.dma_semaphore, #tpu.memory_space<semaphore_mem>>) src(%dma_wait3A_856 : memref<201x64xf32, #tpu.memory_space<hbm>>) dst(%dma_wait3A_853 : memref<16x64xf32, #tpu.memory_space<vmem>>)
      %dma_wait3A_857 = arith.constant 96 : i32
      %dma_wait3A_858 = arith.constant 0 : i32
      %dma_wait3A_859 = tpu.memref_slice %arg7[%dma_wait3A_857, %dma_wait3A_858] : memref<400x64xf32, #tpu.memory_space<vmem>> -> memref<16x64xf32, #tpu.memory_space<vmem>>
      %dma_wait3A_860 = arith.constant 0 : i32
      %dma_wait3A_861 = arith.constant 0 : i32
      %dma_wait3A_862 = tpu.memref_slice %arg3[%dma_wait3A_860, %dma_wait3A_861] : memref<1000000x64xf32, #tpu.memory_space<hbm>> -> memref<1000000x64xf32, #tpu.memory_space<hbm>>
      tpu.wait_indirect_dma semaphore(%arg9 : memref<!tpu.dma_semaphore, #tpu.memory_space<semaphore_mem>>) src(%dma_wait3A_862 : memref<1000000x64xf32, #tpu.memory_space<hbm>>) dst(%dma_wait3A_859 : memref<16x64xf32, #tpu.memory_space<vmem>>)
      %dma_wait3A_863 = arith.constant 96 : i32
      %dma_wait3A_864 = arith.constant 0 : i32
      %dma_wait3A_865 = tpu.memref_slice %arg8[%dma_wait3A_863, %dma_wait3A_864] : memref<400x64xf32, #tpu.memory_space<vmem>> -> memref<16x64xf32, #tpu.memory_space<vmem>>
      %dma_wait3A_866 = arith.constant 0 : i32
      %dma_wait3A_867 = arith.constant 0 : i32
      %dma_wait3A_868 = tpu.memref_slice %arg4[%dma_wait3A_866, %dma_wait3A_867] : memref<201x64xf32, #tpu.memory_space<hbm>> -> memref<201x64xf32, #tpu.memory_space<hbm>>
      tpu.wait_indirect_dma semaphore(%arg10 : memref<!tpu.dma_semaphore, #tpu.memory_space<semaphore_mem>>) src(%dma_wait3A_868 : memref<201x64xf32, #tpu.memory_space<hbm>>) dst(%dma_wait3A_865 : memref<16x64xf32, #tpu.memory_space<vmem>>)
      %dma_wait3A_869 = arith.constant 112 : i32
      %dma_wait3A_870 = arith.constant 0 : i32
      %dma_wait3A_871 = tpu.memref_slice %arg7[%dma_wait3A_869, %dma_wait3A_870] : memref<400x64xf32, #tpu.memory_space<vmem>> -> memref<16x64xf32, #tpu.memory_space<vmem>>
      %dma_wait3A_872 = arith.constant 0 : i32
      %dma_wait3A_873 = arith.constant 0 : i32
      %dma_wait3A_874 = tpu.memref_slice %arg3[%dma_wait3A_872, %dma_wait3A_873] : memref<1000000x64xf32, #tpu.memory_space<hbm>> -> memref<1000000x64xf32, #tpu.memory_space<hbm>>
      tpu.wait_indirect_dma semaphore(%arg9 : memref<!tpu.dma_semaphore, #tpu.memory_space<semaphore_mem>>) src(%dma_wait3A_874 : memref<1000000x64xf32, #tpu.memory_space<hbm>>) dst(%dma_wait3A_871 : memref<16x64xf32, #tpu.memory_space<vmem>>)
      %dma_wait3A_875 = arith.constant 112 : i32
      %dma_wait3A_876 = arith.constant 0 : i32
      %dma_wait3A_877 = tpu.memref_slice %arg8[%dma_wait3A_875, %dma_wait3A_876] : memref<400x64xf32, #tpu.memory_space<vmem>> -> memref<16x64xf32, #tpu.memory_space<vmem>>
      %dma_wait3A_878 = arith.constant 0 : i32
      %dma_wait3A_879 = arith.constant 0 : i32
      %dma_wait3A_880 = tpu.memref_slice %arg4[%dma_wait3A_878, %dma_wait3A_879] : memref<201x64xf32, #tpu.memory_space<hbm>> -> memref<201x64xf32, #tpu.memory_space<hbm>>
      tpu.wait_indirect_dma semaphore(%arg10 : memref<!tpu.dma_semaphore, #tpu.memory_space<semaphore_mem>>) src(%dma_wait3A_880 : memref<201x64xf32, #tpu.memory_space<hbm>>) dst(%dma_wait3A_877 : memref<16x64xf32, #tpu.memory_space<vmem>>)
      %dma_wait3A_881 = arith.constant 128 : i32
      %dma_wait3A_882 = arith.constant 0 : i32
      %dma_wait3A_883 = tpu.memref_slice %arg7[%dma_wait3A_881, %dma_wait3A_882] : memref<400x64xf32, #tpu.memory_space<vmem>> -> memref<16x64xf32, #tpu.memory_space<vmem>>
      %dma_wait3A_884 = arith.constant 0 : i32
      %dma_wait3A_885 = arith.constant 0 : i32
      %dma_wait3A_886 = tpu.memref_slice %arg3[%dma_wait3A_884, %dma_wait3A_885] : memref<1000000x64xf32, #tpu.memory_space<hbm>> -> memref<1000000x64xf32, #tpu.memory_space<hbm>>
      tpu.wait_indirect_dma semaphore(%arg9 : memref<!tpu.dma_semaphore, #tpu.memory_space<semaphore_mem>>) src(%dma_wait3A_886 : memref<1000000x64xf32, #tpu.memory_space<hbm>>) dst(%dma_wait3A_883 : memref<16x64xf32, #tpu.memory_space<vmem>>)
      %dma_wait3A_887 = arith.constant 128 : i32
      %dma_wait3A_888 = arith.constant 0 : i32
      %dma_wait3A_889 = tpu.memref_slice %arg8[%dma_wait3A_887, %dma_wait3A_888] : memref<400x64xf32, #tpu.memory_space<vmem>> -> memref<16x64xf32, #tpu.memory_space<vmem>>
      %dma_wait3A_890 = arith.constant 0 : i32
      %dma_wait3A_891 = arith.constant 0 : i32
      %dma_wait3A_892 = tpu.memref_slice %arg4[%dma_wait3A_890, %dma_wait3A_891] : memref<201x64xf32, #tpu.memory_space<hbm>> -> memref<201x64xf32, #tpu.memory_space<hbm>>
      tpu.wait_indirect_dma semaphore(%arg10 : memref<!tpu.dma_semaphore, #tpu.memory_space<semaphore_mem>>) src(%dma_wait3A_892 : memref<201x64xf32, #tpu.memory_space<hbm>>) dst(%dma_wait3A_889 : memref<16x64xf32, #tpu.memory_space<vmem>>)
      %dma_wait3A_893 = arith.constant 144 : i32
      %dma_wait3A_894 = arith.constant 0 : i32
      %dma_wait3A_895 = tpu.memref_slice %arg7[%dma_wait3A_893, %dma_wait3A_894] : memref<400x64xf32, #tpu.memory_space<vmem>> -> memref<16x64xf32, #tpu.memory_space<vmem>>
      %dma_wait3A_896 = arith.constant 0 : i32
      %dma_wait3A_897 = arith.constant 0 : i32
      %dma_wait3A_898 = tpu.memref_slice %arg3[%dma_wait3A_896, %dma_wait3A_897] : memref<1000000x64xf32, #tpu.memory_space<hbm>> -> memref<1000000x64xf32, #tpu.memory_space<hbm>>
      tpu.wait_indirect_dma semaphore(%arg9 : memref<!tpu.dma_semaphore, #tpu.memory_space<semaphore_mem>>) src(%dma_wait3A_898 : memref<1000000x64xf32, #tpu.memory_space<hbm>>) dst(%dma_wait3A_895 : memref<16x64xf32, #tpu.memory_space<vmem>>)
      %dma_wait3A_899 = arith.constant 144 : i32
      %dma_wait3A_900 = arith.constant 0 : i32
      %dma_wait3A_901 = tpu.memref_slice %arg8[%dma_wait3A_899, %dma_wait3A_900] : memref<400x64xf32, #tpu.memory_space<vmem>> -> memref<16x64xf32, #tpu.memory_space<vmem>>
      %dma_wait3A_902 = arith.constant 0 : i32
      %dma_wait3A_903 = arith.constant 0 : i32
      %dma_wait3A_904 = tpu.memref_slice %arg4[%dma_wait3A_902, %dma_wait3A_903] : memref<201x64xf32, #tpu.memory_space<hbm>> -> memref<201x64xf32, #tpu.memory_space<hbm>>
      tpu.wait_indirect_dma semaphore(%arg10 : memref<!tpu.dma_semaphore, #tpu.memory_space<semaphore_mem>>) src(%dma_wait3A_904 : memref<201x64xf32, #tpu.memory_space<hbm>>) dst(%dma_wait3A_901 : memref<16x64xf32, #tpu.memory_space<vmem>>)
      %dma_wait3A_905 = arith.constant 160 : i32
      %dma_wait3A_906 = arith.constant 0 : i32
      %dma_wait3A_907 = tpu.memref_slice %arg7[%dma_wait3A_905, %dma_wait3A_906] : memref<400x64xf32, #tpu.memory_space<vmem>> -> memref<16x64xf32, #tpu.memory_space<vmem>>
      %dma_wait3A_908 = arith.constant 0 : i32
      %dma_wait3A_909 = arith.constant 0 : i32
      %dma_wait3A_910 = tpu.memref_slice %arg3[%dma_wait3A_908, %dma_wait3A_909] : memref<1000000x64xf32, #tpu.memory_space<hbm>> -> memref<1000000x64xf32, #tpu.memory_space<hbm>>
      tpu.wait_indirect_dma semaphore(%arg9 : memref<!tpu.dma_semaphore, #tpu.memory_space<semaphore_mem>>) src(%dma_wait3A_910 : memref<1000000x64xf32, #tpu.memory_space<hbm>>) dst(%dma_wait3A_907 : memref<16x64xf32, #tpu.memory_space<vmem>>)
      %dma_wait3A_911 = arith.constant 160 : i32
      %dma_wait3A_912 = arith.constant 0 : i32
      %dma_wait3A_913 = tpu.memref_slice %arg8[%dma_wait3A_911, %dma_wait3A_912] : memref<400x64xf32, #tpu.memory_space<vmem>> -> memref<16x64xf32, #tpu.memory_space<vmem>>
      %dma_wait3A_914 = arith.constant 0 : i32
      %dma_wait3A_915 = arith.constant 0 : i32
      %dma_wait3A_916 = tpu.memref_slice %arg4[%dma_wait3A_914, %dma_wait3A_915] : memref<201x64xf32, #tpu.memory_space<hbm>> -> memref<201x64xf32, #tpu.memory_space<hbm>>
      tpu.wait_indirect_dma semaphore(%arg10 : memref<!tpu.dma_semaphore, #tpu.memory_space<semaphore_mem>>) src(%dma_wait3A_916 : memref<201x64xf32, #tpu.memory_space<hbm>>) dst(%dma_wait3A_913 : memref<16x64xf32, #tpu.memory_space<vmem>>)
      %dma_wait3A_917 = arith.constant 176 : i32
      %dma_wait3A_918 = arith.constant 0 : i32
      %dma_wait3A_919 = tpu.memref_slice %arg7[%dma_wait3A_917, %dma_wait3A_918] : memref<400x64xf32, #tpu.memory_space<vmem>> -> memref<16x64xf32, #tpu.memory_space<vmem>>
      %dma_wait3A_920 = arith.constant 0 : i32
      %dma_wait3A_921 = arith.constant 0 : i32
      %dma_wait3A_922 = tpu.memref_slice %arg3[%dma_wait3A_920, %dma_wait3A_921] : memref<1000000x64xf32, #tpu.memory_space<hbm>> -> memref<1000000x64xf32, #tpu.memory_space<hbm>>
      tpu.wait_indirect_dma semaphore(%arg9 : memref<!tpu.dma_semaphore, #tpu.memory_space<semaphore_mem>>) src(%dma_wait3A_922 : memref<1000000x64xf32, #tpu.memory_space<hbm>>) dst(%dma_wait3A_919 : memref<16x64xf32, #tpu.memory_space<vmem>>)
      %dma_wait3A_923 = arith.constant 176 : i32
      %dma_wait3A_924 = arith.constant 0 : i32
      %dma_wait3A_925 = tpu.memref_slice %arg8[%dma_wait3A_923, %dma_wait3A_924] : memref<400x64xf32, #tpu.memory_space<vmem>> -> memref<16x64xf32, #tpu.memory_space<vmem>>
      %dma_wait3A_926 = arith.constant 0 : i32
      %dma_wait3A_927 = arith.constant 0 : i32
      %dma_wait3A_928 = tpu.memref_slice %arg4[%dma_wait3A_926, %dma_wait3A_927] : memref<201x64xf32, #tpu.memory_space<hbm>> -> memref<201x64xf32, #tpu.memory_space<hbm>>
      tpu.wait_indirect_dma semaphore(%arg10 : memref<!tpu.dma_semaphore, #tpu.memory_space<semaphore_mem>>) src(%dma_wait3A_928 : memref<201x64xf32, #tpu.memory_space<hbm>>) dst(%dma_wait3A_925 : memref<16x64xf32, #tpu.memory_space<vmem>>)
      %dma_wait3A_929 = arith.constant 184 : i32
      %dma_wait3A_930 = arith.constant 0 : i32
      %dma_wait3A_931 = tpu.memref_slice %arg7[%dma_wait3A_929, %dma_wait3A_930] : memref<400x64xf32, #tpu.memory_space<vmem>> -> memref<16x64xf32, #tpu.memory_space<vmem>>
      %dma_wait3A_932 = arith.constant 0 : i32
      %dma_wait3A_933 = arith.constant 0 : i32
      %dma_wait3A_934 = tpu.memref_slice %arg3[%dma_wait3A_932, %dma_wait3A_933] : memref<1000000x64xf32, #tpu.memory_space<hbm>> -> memref<1000000x64xf32, #tpu.memory_space<hbm>>
      tpu.wait_indirect_dma semaphore(%arg9 : memref<!tpu.dma_semaphore, #tpu.memory_space<semaphore_mem>>) src(%dma_wait3A_934 : memref<1000000x64xf32, #tpu.memory_space<hbm>>) dst(%dma_wait3A_931 : memref<16x64xf32, #tpu.memory_space<vmem>>)
      %dma_wait3A_935 = arith.constant 184 : i32
      %dma_wait3A_936 = arith.constant 0 : i32
      %dma_wait3A_937 = tpu.memref_slice %arg8[%dma_wait3A_935, %dma_wait3A_936] : memref<400x64xf32, #tpu.memory_space<vmem>> -> memref<16x64xf32, #tpu.memory_space<vmem>>
      %dma_wait3A_938 = arith.constant 0 : i32
      %dma_wait3A_939 = arith.constant 0 : i32
      %dma_wait3A_940 = tpu.memref_slice %arg4[%dma_wait3A_938, %dma_wait3A_939] : memref<201x64xf32, #tpu.memory_space<hbm>> -> memref<201x64xf32, #tpu.memory_space<hbm>>
      tpu.wait_indirect_dma semaphore(%arg10 : memref<!tpu.dma_semaphore, #tpu.memory_space<semaphore_mem>>) src(%dma_wait3A_940 : memref<201x64xf32, #tpu.memory_space<hbm>>) dst(%dma_wait3A_937 : memref<16x64xf32, #tpu.memory_space<vmem>>)
      %dma_wait3A_941 = arith.constant 200 : i32
      %dma_wait3A_942 = arith.constant 0 : i32
      %dma_wait3A_943 = tpu.memref_slice %arg7[%dma_wait3A_941, %dma_wait3A_942] : memref<400x64xf32, #tpu.memory_space<vmem>> -> memref<16x64xf32, #tpu.memory_space<vmem>>
      %dma_wait3A_944 = arith.constant 0 : i32
      %dma_wait3A_945 = arith.constant 0 : i32
      %dma_wait3A_946 = tpu.memref_slice %arg3[%dma_wait3A_944, %dma_wait3A_945] : memref<1000000x64xf32, #tpu.memory_space<hbm>> -> memref<1000000x64xf32, #tpu.memory_space<hbm>>
      tpu.wait_indirect_dma semaphore(%arg9 : memref<!tpu.dma_semaphore, #tpu.memory_space<semaphore_mem>>) src(%dma_wait3A_946 : memref<1000000x64xf32, #tpu.memory_space<hbm>>) dst(%dma_wait3A_943 : memref<16x64xf32, #tpu.memory_space<vmem>>)
      %dma_wait3A_947 = arith.constant 200 : i32
      %dma_wait3A_948 = arith.constant 0 : i32
      %dma_wait3A_949 = tpu.memref_slice %arg8[%dma_wait3A_947, %dma_wait3A_948] : memref<400x64xf32, #tpu.memory_space<vmem>> -> memref<16x64xf32, #tpu.memory_space<vmem>>
      %dma_wait3A_950 = arith.constant 0 : i32
      %dma_wait3A_951 = arith.constant 0 : i32
      %dma_wait3A_952 = tpu.memref_slice %arg4[%dma_wait3A_950, %dma_wait3A_951] : memref<201x64xf32, #tpu.memory_space<hbm>> -> memref<201x64xf32, #tpu.memory_space<hbm>>
      tpu.wait_indirect_dma semaphore(%arg10 : memref<!tpu.dma_semaphore, #tpu.memory_space<semaphore_mem>>) src(%dma_wait3A_952 : memref<201x64xf32, #tpu.memory_space<hbm>>) dst(%dma_wait3A_949 : memref<16x64xf32, #tpu.memory_space<vmem>>)
      %dma_wait3A_953 = arith.constant 216 : i32
      %dma_wait3A_954 = arith.constant 0 : i32
      %dma_wait3A_955 = tpu.memref_slice %arg7[%dma_wait3A_953, %dma_wait3A_954] : memref<400x64xf32, #tpu.memory_space<vmem>> -> memref<16x64xf32, #tpu.memory_space<vmem>>
      %dma_wait3A_956 = arith.constant 0 : i32
      %dma_wait3A_957 = arith.constant 0 : i32
      %dma_wait3A_958 = tpu.memref_slice %arg3[%dma_wait3A_956, %dma_wait3A_957] : memref<1000000x64xf32, #tpu.memory_space<hbm>> -> memref<1000000x64xf32, #tpu.memory_space<hbm>>
      tpu.wait_indirect_dma semaphore(%arg9 : memref<!tpu.dma_semaphore, #tpu.memory_space<semaphore_mem>>) src(%dma_wait3A_958 : memref<1000000x64xf32, #tpu.memory_space<hbm>>) dst(%dma_wait3A_955 : memref<16x64xf32, #tpu.memory_space<vmem>>)
      %dma_wait3A_959 = arith.constant 216 : i32
      %dma_wait3A_960 = arith.constant 0 : i32
      %dma_wait3A_961 = tpu.memref_slice %arg8[%dma_wait3A_959, %dma_wait3A_960] : memref<400x64xf32, #tpu.memory_space<vmem>> -> memref<16x64xf32, #tpu.memory_space<vmem>>
      %dma_wait3A_962 = arith.constant 0 : i32
      %dma_wait3A_963 = arith.constant 0 : i32
      %dma_wait3A_964 = tpu.memref_slice %arg4[%dma_wait3A_962, %dma_wait3A_963] : memref<201x64xf32, #tpu.memory_space<hbm>> -> memref<201x64xf32, #tpu.memory_space<hbm>>
      tpu.wait_indirect_dma semaphore(%arg10 : memref<!tpu.dma_semaphore, #tpu.memory_space<semaphore_mem>>) src(%dma_wait3A_964 : memref<201x64xf32, #tpu.memory_space<hbm>>) dst(%dma_wait3A_961 : memref<16x64xf32, #tpu.memory_space<vmem>>)
      %dma_wait3A_965 = arith.constant 232 : i32
      %dma_wait3A_966 = arith.constant 0 : i32
      %dma_wait3A_967 = tpu.memref_slice %arg7[%dma_wait3A_965, %dma_wait3A_966] : memref<400x64xf32, #tpu.memory_space<vmem>> -> memref<16x64xf32, #tpu.memory_space<vmem>>
      %dma_wait3A_968 = arith.constant 0 : i32
      %dma_wait3A_969 = arith.constant 0 : i32
      %dma_wait3A_970 = tpu.memref_slice %arg3[%dma_wait3A_968, %dma_wait3A_969] : memref<1000000x64xf32, #tpu.memory_space<hbm>> -> memref<1000000x64xf32, #tpu.memory_space<hbm>>
      tpu.wait_indirect_dma semaphore(%arg9 : memref<!tpu.dma_semaphore, #tpu.memory_space<semaphore_mem>>) src(%dma_wait3A_970 : memref<1000000x64xf32, #tpu.memory_space<hbm>>) dst(%dma_wait3A_967 : memref<16x64xf32, #tpu.memory_space<vmem>>)
      %dma_wait3A_971 = arith.constant 232 : i32
      %dma_wait3A_972 = arith.constant 0 : i32
      %dma_wait3A_973 = tpu.memref_slice %arg8[%dma_wait3A_971, %dma_wait3A_972] : memref<400x64xf32, #tpu.memory_space<vmem>> -> memref<16x64xf32, #tpu.memory_space<vmem>>
      %dma_wait3A_974 = arith.constant 0 : i32
      %dma_wait3A_975 = arith.constant 0 : i32
      %dma_wait3A_976 = tpu.memref_slice %arg4[%dma_wait3A_974, %dma_wait3A_975] : memref<201x64xf32, #tpu.memory_space<hbm>> -> memref<201x64xf32, #tpu.memory_space<hbm>>
      tpu.wait_indirect_dma semaphore(%arg10 : memref<!tpu.dma_semaphore, #tpu.memory_space<semaphore_mem>>) src(%dma_wait3A_976 : memref<201x64xf32, #tpu.memory_space<hbm>>) dst(%dma_wait3A_973 : memref<16x64xf32, #tpu.memory_space<vmem>>)
      %dma_wait3A_977 = arith.constant 248 : i32
      %dma_wait3A_978 = arith.constant 0 : i32
      %dma_wait3A_979 = tpu.memref_slice %arg7[%dma_wait3A_977, %dma_wait3A_978] : memref<400x64xf32, #tpu.memory_space<vmem>> -> memref<16x64xf32, #tpu.memory_space<vmem>>
      %dma_wait3A_980 = arith.constant 0 : i32
      %dma_wait3A_981 = arith.constant 0 : i32
      %dma_wait3A_982 = tpu.memref_slice %arg3[%dma_wait3A_980, %dma_wait3A_981] : memref<1000000x64xf32, #tpu.memory_space<hbm>> -> memref<1000000x64xf32, #tpu.memory_space<hbm>>
      tpu.wait_indirect_dma semaphore(%arg9 : memref<!tpu.dma_semaphore, #tpu.memory_space<semaphore_mem>>) src(%dma_wait3A_982 : memref<1000000x64xf32, #tpu.memory_space<hbm>>) dst(%dma_wait3A_979 : memref<16x64xf32, #tpu.memory_space<vmem>>)
      %dma_wait3A_983 = arith.constant 248 : i32
      %dma_wait3A_984 = arith.constant 0 : i32
      %dma_wait3A_985 = tpu.memref_slice %arg8[%dma_wait3A_983, %dma_wait3A_984] : memref<400x64xf32, #tpu.memory_space<vmem>> -> memref<16x64xf32, #tpu.memory_space<vmem>>
      %dma_wait3A_986 = arith.constant 0 : i32
      %dma_wait3A_987 = arith.constant 0 : i32
      %dma_wait3A_988 = tpu.memref_slice %arg4[%dma_wait3A_986, %dma_wait3A_987] : memref<201x64xf32, #tpu.memory_space<hbm>> -> memref<201x64xf32, #tpu.memory_space<hbm>>
      tpu.wait_indirect_dma semaphore(%arg10 : memref<!tpu.dma_semaphore, #tpu.memory_space<semaphore_mem>>) src(%dma_wait3A_988 : memref<201x64xf32, #tpu.memory_space<hbm>>) dst(%dma_wait3A_985 : memref<16x64xf32, #tpu.memory_space<vmem>>)
      %dma_wait3A_989 = arith.constant 264 : i32
      %dma_wait3A_990 = arith.constant 0 : i32
      %dma_wait3A_991 = tpu.memref_slice %arg7[%dma_wait3A_989, %dma_wait3A_990] : memref<400x64xf32, #tpu.memory_space<vmem>> -> memref<16x64xf32, #tpu.memory_space<vmem>>
      %dma_wait3A_992 = arith.constant 0 : i32
      %dma_wait3A_993 = arith.constant 0 : i32
      %dma_wait3A_994 = tpu.memref_slice %arg3[%dma_wait3A_992, %dma_wait3A_993] : memref<1000000x64xf32, #tpu.memory_space<hbm>> -> memref<1000000x64xf32, #tpu.memory_space<hbm>>
      tpu.wait_indirect_dma semaphore(%arg9 : memref<!tpu.dma_semaphore, #tpu.memory_space<semaphore_mem>>) src(%dma_wait3A_994 : memref<1000000x64xf32, #tpu.memory_space<hbm>>) dst(%dma_wait3A_991 : memref<16x64xf32, #tpu.memory_space<vmem>>)
      %dma_wait3A_995 = arith.constant 264 : i32
      %dma_wait3A_996 = arith.constant 0 : i32
      %dma_wait3A_997 = tpu.memref_slice %arg8[%dma_wait3A_995, %dma_wait3A_996] : memref<400x64xf32, #tpu.memory_space<vmem>> -> memref<16x64xf32, #tpu.memory_space<vmem>>
      %dma_wait3A_998 = arith.constant 0 : i32
      %dma_wait3A_999 = arith.constant 0 : i32
      %dma_wait3A_1000 = tpu.memref_slice %arg4[%dma_wait3A_998, %dma_wait3A_999] : memref<201x64xf32, #tpu.memory_space<hbm>> -> memref<201x64xf32, #tpu.memory_space<hbm>>
      tpu.wait_indirect_dma semaphore(%arg10 : memref<!tpu.dma_semaphore, #tpu.memory_space<semaphore_mem>>) src(%dma_wait3A_1000 : memref<201x64xf32, #tpu.memory_space<hbm>>) dst(%dma_wait3A_997 : memref<16x64xf32, #tpu.memory_space<vmem>>)
      %dma_wait3A_1001 = arith.constant 280 : i32
      %dma_wait3A_1002 = arith.constant 0 : i32
      %dma_wait3A_1003 = tpu.memref_slice %arg7[%dma_wait3A_1001, %dma_wait3A_1002] : memref<400x64xf32, #tpu.memory_space<vmem>> -> memref<16x64xf32, #tpu.memory_space<vmem>>
      %dma_wait3A_1004 = arith.constant 0 : i32
      %dma_wait3A_1005 = arith.constant 0 : i32
      %dma_wait3A_1006 = tpu.memref_slice %arg3[%dma_wait3A_1004, %dma_wait3A_1005] : memref<1000000x64xf32, #tpu.memory_space<hbm>> -> memref<1000000x64xf32, #tpu.memory_space<hbm>>
      tpu.wait_indirect_dma semaphore(%arg9 : memref<!tpu.dma_semaphore, #tpu.memory_space<semaphore_mem>>) src(%dma_wait3A_1006 : memref<1000000x64xf32, #tpu.memory_space<hbm>>) dst(%dma_wait3A_1003 : memref<16x64xf32, #tpu.memory_space<vmem>>)
      %dma_wait3A_1007 = arith.constant 280 : i32
      %dma_wait3A_1008 = arith.constant 0 : i32
      %dma_wait3A_1009 = tpu.memref_slice %arg8[%dma_wait3A_1007, %dma_wait3A_1008] : memref<400x64xf32, #tpu.memory_space<vmem>> -> memref<16x64xf32, #tpu.memory_space<vmem>>
      %dma_wait3A_1010 = arith.constant 0 : i32
      %dma_wait3A_1011 = arith.constant 0 : i32
      %dma_wait3A_1012 = tpu.memref_slice %arg4[%dma_wait3A_1010, %dma_wait3A_1011] : memref<201x64xf32, #tpu.memory_space<hbm>> -> memref<201x64xf32, #tpu.memory_space<hbm>>
      tpu.wait_indirect_dma semaphore(%arg10 : memref<!tpu.dma_semaphore, #tpu.memory_space<semaphore_mem>>) src(%dma_wait3A_1012 : memref<201x64xf32, #tpu.memory_space<hbm>>) dst(%dma_wait3A_1009 : memref<16x64xf32, #tpu.memory_space<vmem>>)
      %dma_wait3A_1013 = arith.constant 296 : i32
      %dma_wait3A_1014 = arith.constant 0 : i32
      %dma_wait3A_1015 = tpu.memref_slice %arg7[%dma_wait3A_1013, %dma_wait3A_1014] : memref<400x64xf32, #tpu.memory_space<vmem>> -> memref<16x64xf32, #tpu.memory_space<vmem>>
      %dma_wait3A_1016 = arith.constant 0 : i32
      %dma_wait3A_1017 = arith.constant 0 : i32
      %dma_wait3A_1018 = tpu.memref_slice %arg3[%dma_wait3A_1016, %dma_wait3A_1017] : memref<1000000x64xf32, #tpu.memory_space<hbm>> -> memref<1000000x64xf32, #tpu.memory_space<hbm>>
      tpu.wait_indirect_dma semaphore(%arg9 : memref<!tpu.dma_semaphore, #tpu.memory_space<semaphore_mem>>) src(%dma_wait3A_1018 : memref<1000000x64xf32, #tpu.memory_space<hbm>>) dst(%dma_wait3A_1015 : memref<16x64xf32, #tpu.memory_space<vmem>>)
      %dma_wait3A_1019 = arith.constant 296 : i32
      %dma_wait3A_1020 = arith.constant 0 : i32
      %dma_wait3A_1021 = tpu.memref_slice %arg8[%dma_wait3A_1019, %dma_wait3A_1020] : memref<400x64xf32, #tpu.memory_space<vmem>> -> memref<16x64xf32, #tpu.memory_space<vmem>>
      %dma_wait3A_1022 = arith.constant 0 : i32
      %dma_wait3A_1023 = arith.constant 0 : i32
      %dma_wait3A_1024 = tpu.memref_slice %arg4[%dma_wait3A_1022, %dma_wait3A_1023] : memref<201x64xf32, #tpu.memory_space<hbm>> -> memref<201x64xf32, #tpu.memory_space<hbm>>
      tpu.wait_indirect_dma semaphore(%arg10 : memref<!tpu.dma_semaphore, #tpu.memory_space<semaphore_mem>>) src(%dma_wait3A_1024 : memref<201x64xf32, #tpu.memory_space<hbm>>) dst(%dma_wait3A_1021 : memref<16x64xf32, #tpu.memory_space<vmem>>)
      %dma_wait3A_1025 = arith.constant 312 : i32
      %dma_wait3A_1026 = arith.constant 0 : i32
      %dma_wait3A_1027 = tpu.memref_slice %arg7[%dma_wait3A_1025, %dma_wait3A_1026] : memref<400x64xf32, #tpu.memory_space<vmem>> -> memref<16x64xf32, #tpu.memory_space<vmem>>
      %dma_wait3A_1028 = arith.constant 0 : i32
      %dma_wait3A_1029 = arith.constant 0 : i32
      %dma_wait3A_1030 = tpu.memref_slice %arg3[%dma_wait3A_1028, %dma_wait3A_1029] : memref<1000000x64xf32, #tpu.memory_space<hbm>> -> memref<1000000x64xf32, #tpu.memory_space<hbm>>
      tpu.wait_indirect_dma semaphore(%arg9 : memref<!tpu.dma_semaphore, #tpu.memory_space<semaphore_mem>>) src(%dma_wait3A_1030 : memref<1000000x64xf32, #tpu.memory_space<hbm>>) dst(%dma_wait3A_1027 : memref<16x64xf32, #tpu.memory_space<vmem>>)
      %dma_wait3A_1031 = arith.constant 312 : i32
      %dma_wait3A_1032 = arith.constant 0 : i32
      %dma_wait3A_1033 = tpu.memref_slice %arg8[%dma_wait3A_1031, %dma_wait3A_1032] : memref<400x64xf32, #tpu.memory_space<vmem>> -> memref<16x64xf32, #tpu.memory_space<vmem>>
      %dma_wait3A_1034 = arith.constant 0 : i32
      %dma_wait3A_1035 = arith.constant 0 : i32
      %dma_wait3A_1036 = tpu.memref_slice %arg4[%dma_wait3A_1034, %dma_wait3A_1035] : memref<201x64xf32, #tpu.memory_space<hbm>> -> memref<201x64xf32, #tpu.memory_space<hbm>>
      tpu.wait_indirect_dma semaphore(%arg10 : memref<!tpu.dma_semaphore, #tpu.memory_space<semaphore_mem>>) src(%dma_wait3A_1036 : memref<201x64xf32, #tpu.memory_space<hbm>>) dst(%dma_wait3A_1033 : memref<16x64xf32, #tpu.memory_space<vmem>>)
      %dma_wait3A_1037 = arith.constant 328 : i32
      %dma_wait3A_1038 = arith.constant 0 : i32
      %dma_wait3A_1039 = tpu.memref_slice %arg7[%dma_wait3A_1037, %dma_wait3A_1038] : memref<400x64xf32, #tpu.memory_space<vmem>> -> memref<16x64xf32, #tpu.memory_space<vmem>>
      %dma_wait3A_1040 = arith.constant 0 : i32
      %dma_wait3A_1041 = arith.constant 0 : i32
      %dma_wait3A_1042 = tpu.memref_slice %arg3[%dma_wait3A_1040, %dma_wait3A_1041] : memref<1000000x64xf32, #tpu.memory_space<hbm>> -> memref<1000000x64xf32, #tpu.memory_space<hbm>>
      tpu.wait_indirect_dma semaphore(%arg9 : memref<!tpu.dma_semaphore, #tpu.memory_space<semaphore_mem>>) src(%dma_wait3A_1042 : memref<1000000x64xf32, #tpu.memory_space<hbm>>) dst(%dma_wait3A_1039 : memref<16x64xf32, #tpu.memory_space<vmem>>)
      %dma_wait3A_1043 = arith.constant 328 : i32
      %dma_wait3A_1044 = arith.constant 0 : i32
      %dma_wait3A_1045 = tpu.memref_slice %arg8[%dma_wait3A_1043, %dma_wait3A_1044] : memref<400x64xf32, #tpu.memory_space<vmem>> -> memref<16x64xf32, #tpu.memory_space<vmem>>
      %dma_wait3A_1046 = arith.constant 0 : i32
      %dma_wait3A_1047 = arith.constant 0 : i32
      %dma_wait3A_1048 = tpu.memref_slice %arg4[%dma_wait3A_1046, %dma_wait3A_1047] : memref<201x64xf32, #tpu.memory_space<hbm>> -> memref<201x64xf32, #tpu.memory_space<hbm>>
      tpu.wait_indirect_dma semaphore(%arg10 : memref<!tpu.dma_semaphore, #tpu.memory_space<semaphore_mem>>) src(%dma_wait3A_1048 : memref<201x64xf32, #tpu.memory_space<hbm>>) dst(%dma_wait3A_1045 : memref<16x64xf32, #tpu.memory_space<vmem>>)
      %dma_wait3A_1049 = arith.constant 344 : i32
      %dma_wait3A_1050 = arith.constant 0 : i32
      %dma_wait3A_1051 = tpu.memref_slice %arg7[%dma_wait3A_1049, %dma_wait3A_1050] : memref<400x64xf32, #tpu.memory_space<vmem>> -> memref<16x64xf32, #tpu.memory_space<vmem>>
      %dma_wait3A_1052 = arith.constant 0 : i32
      %dma_wait3A_1053 = arith.constant 0 : i32
      %dma_wait3A_1054 = tpu.memref_slice %arg3[%dma_wait3A_1052, %dma_wait3A_1053] : memref<1000000x64xf32, #tpu.memory_space<hbm>> -> memref<1000000x64xf32, #tpu.memory_space<hbm>>
      tpu.wait_indirect_dma semaphore(%arg9 : memref<!tpu.dma_semaphore, #tpu.memory_space<semaphore_mem>>) src(%dma_wait3A_1054 : memref<1000000x64xf32, #tpu.memory_space<hbm>>) dst(%dma_wait3A_1051 : memref<16x64xf32, #tpu.memory_space<vmem>>)
      %dma_wait3A_1055 = arith.constant 344 : i32
      %dma_wait3A_1056 = arith.constant 0 : i32
      %dma_wait3A_1057 = tpu.memref_slice %arg8[%dma_wait3A_1055, %dma_wait3A_1056] : memref<400x64xf32, #tpu.memory_space<vmem>> -> memref<16x64xf32, #tpu.memory_space<vmem>>
      %dma_wait3A_1058 = arith.constant 0 : i32
      %dma_wait3A_1059 = arith.constant 0 : i32
      %dma_wait3A_1060 = tpu.memref_slice %arg4[%dma_wait3A_1058, %dma_wait3A_1059] : memref<201x64xf32, #tpu.memory_space<hbm>> -> memref<201x64xf32, #tpu.memory_space<hbm>>
      tpu.wait_indirect_dma semaphore(%arg10 : memref<!tpu.dma_semaphore, #tpu.memory_space<semaphore_mem>>) src(%dma_wait3A_1060 : memref<201x64xf32, #tpu.memory_space<hbm>>) dst(%dma_wait3A_1057 : memref<16x64xf32, #tpu.memory_space<vmem>>)
      %dma_wait3A_1061 = arith.constant 360 : i32
      %dma_wait3A_1062 = arith.constant 0 : i32
      %dma_wait3A_1063 = tpu.memref_slice %arg7[%dma_wait3A_1061, %dma_wait3A_1062] : memref<400x64xf32, #tpu.memory_space<vmem>> -> memref<16x64xf32, #tpu.memory_space<vmem>>
      %dma_wait3A_1064 = arith.constant 0 : i32
      %dma_wait3A_1065 = arith.constant 0 : i32
      %dma_wait3A_1066 = tpu.memref_slice %arg3[%dma_wait3A_1064, %dma_wait3A_1065] : memref<1000000x64xf32, #tpu.memory_space<hbm>> -> memref<1000000x64xf32, #tpu.memory_space<hbm>>
      tpu.wait_indirect_dma semaphore(%arg9 : memref<!tpu.dma_semaphore, #tpu.memory_space<semaphore_mem>>) src(%dma_wait3A_1066 : memref<1000000x64xf32, #tpu.memory_space<hbm>>) dst(%dma_wait3A_1063 : memref<16x64xf32, #tpu.memory_space<vmem>>)
      %dma_wait3A_1067 = arith.constant 360 : i32
      %dma_wait3A_1068 = arith.constant 0 : i32
      %dma_wait3A_1069 = tpu.memref_slice %arg8[%dma_wait3A_1067, %dma_wait3A_1068] : memref<400x64xf32, #tpu.memory_space<vmem>> -> memref<16x64xf32, #tpu.memory_space<vmem>>
      %dma_wait3A_1070 = arith.constant 0 : i32
      %dma_wait3A_1071 = arith.constant 0 : i32
      %dma_wait3A_1072 = tpu.memref_slice %arg4[%dma_wait3A_1070, %dma_wait3A_1071] : memref<201x64xf32, #tpu.memory_space<hbm>> -> memref<201x64xf32, #tpu.memory_space<hbm>>
      tpu.wait_indirect_dma semaphore(%arg10 : memref<!tpu.dma_semaphore, #tpu.memory_space<semaphore_mem>>) src(%dma_wait3A_1072 : memref<201x64xf32, #tpu.memory_space<hbm>>) dst(%dma_wait3A_1069 : memref<16x64xf32, #tpu.memory_space<vmem>>)
      %dma_wait3A_1073 = arith.constant 376 : i32
      %dma_wait3A_1074 = arith.constant 0 : i32
      %dma_wait3A_1075 = tpu.memref_slice %arg7[%dma_wait3A_1073, %dma_wait3A_1074] : memref<400x64xf32, #tpu.memory_space<vmem>> -> memref<16x64xf32, #tpu.memory_space<vmem>>
      %dma_wait3A_1076 = arith.constant 0 : i32
      %dma_wait3A_1077 = arith.constant 0 : i32
      %dma_wait3A_1078 = tpu.memref_slice %arg3[%dma_wait3A_1076, %dma_wait3A_1077] : memref<1000000x64xf32, #tpu.memory_space<hbm>> -> memref<1000000x64xf32, #tpu.memory_space<hbm>>
      tpu.wait_indirect_dma semaphore(%arg9 : memref<!tpu.dma_semaphore, #tpu.memory_space<semaphore_mem>>) src(%dma_wait3A_1078 : memref<1000000x64xf32, #tpu.memory_space<hbm>>) dst(%dma_wait3A_1075 : memref<16x64xf32, #tpu.memory_space<vmem>>)
      %dma_wait3A_1079 = arith.constant 376 : i32
      %dma_wait3A_1080 = arith.constant 0 : i32
      %dma_wait3A_1081 = tpu.memref_slice %arg8[%dma_wait3A_1079, %dma_wait3A_1080] : memref<400x64xf32, #tpu.memory_space<vmem>> -> memref<16x64xf32, #tpu.memory_space<vmem>>
      %dma_wait3A_1082 = arith.constant 0 : i32
      %dma_wait3A_1083 = arith.constant 0 : i32
      %dma_wait3A_1084 = tpu.memref_slice %arg4[%dma_wait3A_1082, %dma_wait3A_1083] : memref<201x64xf32, #tpu.memory_space<hbm>> -> memref<201x64xf32, #tpu.memory_space<hbm>>
      tpu.wait_indirect_dma semaphore(%arg10 : memref<!tpu.dma_semaphore, #tpu.memory_space<semaphore_mem>>) src(%dma_wait3A_1084 : memref<201x64xf32, #tpu.memory_space<hbm>>) dst(%dma_wait3A_1081 : memref<16x64xf32, #tpu.memory_space<vmem>>)
      %dma_wait3A_1085 = arith.constant 384 : i32
      %dma_wait3A_1086 = arith.constant 0 : i32
      %dma_wait3A_1087 = tpu.memref_slice %arg7[%dma_wait3A_1085, %dma_wait3A_1086] : memref<400x64xf32, #tpu.memory_space<vmem>> -> memref<16x64xf32, #tpu.memory_space<vmem>>
      %dma_wait3A_1088 = arith.constant 0 : i32
      %dma_wait3A_1089 = arith.constant 0 : i32
      %dma_wait3A_1090 = tpu.memref_slice %arg3[%dma_wait3A_1088, %dma_wait3A_1089] : memref<1000000x64xf32, #tpu.memory_space<hbm>> -> memref<1000000x64xf32, #tpu.memory_space<hbm>>
      tpu.wait_indirect_dma semaphore(%arg9 : memref<!tpu.dma_semaphore, #tpu.memory_space<semaphore_mem>>) src(%dma_wait3A_1090 : memref<1000000x64xf32, #tpu.memory_space<hbm>>) dst(%dma_wait3A_1087 : memref<16x64xf32, #tpu.memory_space<vmem>>)
      %dma_wait3A_1091 = arith.constant 384 : i32
      %dma_wait3A_1092 = arith.constant 0 : i32
      %dma_wait3A_1093 = tpu.memref_slice %arg8[%dma_wait3A_1091, %dma_wait3A_1092] : memref<400x64xf32, #tpu.memory_space<vmem>> -> memref<16x64xf32, #tpu.memory_space<vmem>>
      %dma_wait3A_1094 = arith.constant 0 : i32
      %dma_wait3A_1095 = arith.constant 0 : i32
      %dma_wait3A_1096 = tpu.memref_slice %arg4[%dma_wait3A_1094, %dma_wait3A_1095] : memref<201x64xf32, #tpu.memory_space<hbm>> -> memref<201x64xf32, #tpu.memory_space<hbm>>
      tpu.wait_indirect_dma semaphore(%arg10 : memref<!tpu.dma_semaphore, #tpu.memory_space<semaphore_mem>>) src(%dma_wait3A_1096 : memref<201x64xf32, #tpu.memory_space<hbm>>) dst(%dma_wait3A_1093 : memref<16x64xf32, #tpu.memory_space<vmem>>)
      %scan3A_1097 = arith.constant 0 : i32
      %scan3A_1098 = arith.constant 0 : i32
      %scan3A_1099 = arith.constant 400 : i32
      %scan3A_1100 = arith.addi %scan3A_1098, %scan3A_1099 : i32
      %scan3A_1101 = arith.constant 1 : i32
      scf.for %scan3A_1103 = %scan3A_1098 to %scan3A_1100 step %scan3A_1101  : i32 {
        %get3A_1104 = arith.index_cast %scan3A_1103 : i32 to index
        %get3A_1105 = arith.constant 0 : index
        %get3A_1106 = tpu.vector_load %arg7[%get3A_1104, %get3A_1105] {strides = array<i32>} : memref<400x64xf32, #tpu.memory_space<vmem>>, vector<16xf32>,
        %get3A_1107 = arith.index_cast %scan3A_1103 : i32 to index
        %get3A_1108 = arith.constant 0 : index
        %get3A_1109 = tpu.vector_load %arg8[%get3A_1107, %get3A_1108] {strides = array<i32>} : memref<400x64xf32, #tpu.memory_space<vmem>>, vector<16xf32>,
        %add3A_1110 = arith.addf %get3A_1106, %get3A_1109 : vector<16xf32>
        %swap3A = arith.index_cast %scan3A_1103 : i32 to index
        %swap3A_1111 = arith.constant 0 : index
        %swap3A_1112 = tpu.vector_load %arg7[%swap3A, %swap3A_1111] {strides = array<i32>} : memref<400x64xf32, #tpu.memory_space<vmem>>, vector<16xf32>,
        tpu.vector_store %arg7[%swap3A, %swap3A_1111], %add3A_1110 {strides = array<i32>} : memref<400x64xf32, #tpu.memory_space<vmem>>, vector<16xf32>,
        %get3A_1113 = arith.index_cast %scan3A_1103 : i32 to index
        %get3A_1114 = arith.constant 16 : index
        %get3A_1115 = tpu.vector_load %arg7[%get3A_1113, %get3A_1114] {strides = array<i32>} : memref<400x64xf32, #tpu.memory_space<vmem>>, vector<16xf32>,
        %get3A_1116 = arith.index_cast %scan3A_1103 : i32 to index
        %get3A_1117 = arith.constant 16 : index
        %get3A_1118 = tpu.vector_load %arg8[%get3A_1116, %get3A_1117] {strides = array<i32>} : memref<400x64xf32, #tpu.memory_space<vmem>>, vector<16xf32>,
        %add3A_1119 = arith.addf %get3A_1115, %get3A_1118 : vector<16xf32>
        %swap3A_1120 = arith.index_cast %scan3A_1103 : i32 to index
        %swap3A_1121 = arith.constant 16 : index
        %swap3A_1122 = tpu.vector_load %arg7[%swap3A_1120, %swap3A_1121] {strides = array<i32>} : memref<400x64xf32, #tpu.memory_space<vmem>>, vector<16xf32>,
        tpu.vector_store %arg7[%swap3A_1120, %swap3A_1121], %add3A_1119 {strides = array<i32>} : memref<400x64xf32, #tpu.memory_space<vmem>>, vector<16xf32>,
        %get3A_1123 = arith.index_cast %scan3A_1103 : i32 to index
        %get3A_1124 = arith.constant 32 : index
        %get3A_1125 = tpu.vector_load %arg7[%get3A_1123, %get3A_1124] {strides = array<i32>} : memref<400x64xf32, #tpu.memory_space<vmem>>, vector<16xf32>,
        %get3A_1126 = arith.index_cast %scan3A_1103 : i32 to index
        %get3A_1127 = arith.constant 32 : index
        %get3A_1128 = tpu.vector_load %arg8[%get3A_1126, %get3A_1127] {strides = array<i32>} : memref<400x64xf32, #tpu.memory_space<vmem>>, vector<16xf32>,
        %add3A_1129 = arith.addf %get3A_1125, %get3A_1128 : vector<16xf32>
        %swap3A_1130 = arith.index_cast %scan3A_1103 : i32 to index
        %swap3A_1131 = arith.constant 32 : index
        %swap3A_1132 = tpu.vector_load %arg7[%swap3A_1130, %swap3A_1131] {strides = array<i32>} : memref<400x64xf32, #tpu.memory_space<vmem>>, vector<16xf32>,
        tpu.vector_store %arg7[%swap3A_1130, %swap3A_1131], %add3A_1129 {strides = array<i32>} : memref<400x64xf32, #tpu.memory_space<vmem>>, vector<16xf32>,
        %get3A_1133 = arith.index_cast %scan3A_1103 : i32 to index
        %get3A_1134 = arith.constant 48 : index
        %get3A_1135 = tpu.vector_load %arg7[%get3A_1133, %get3A_1134] {strides = array<i32>} : memref<400x64xf32, #tpu.memory_space<vmem>>, vector<16xf32>,
        %get3A_1136 = arith.index_cast %scan3A_1103 : i32 to index
        %get3A_1137 = arith.constant 48 : index
        %get3A_1138 = tpu.vector_load %arg8[%get3A_1136, %get3A_1137] {strides = array<i32>} : memref<400x64xf32, #tpu.memory_space<vmem>>, vector<16xf32>,
        %add3A_1139 = arith.addf %get3A_1135, %get3A_1138 : vector<16xf32>
        %swap3A_1140 = arith.index_cast %scan3A_1103 : i32 to index
        %swap3A_1141 = arith.constant 48 : index
        %swap3A_1142 = tpu.vector_load %arg7[%swap3A_1140, %swap3A_1141] {strides = array<i32>} : memref<400x64xf32, #tpu.memory_space<vmem>>, vector<16xf32>,
        tpu.vector_store %arg7[%swap3A_1140, %swap3A_1141], %add3A_1139 {strides = array<i32>} : memref<400x64xf32, #tpu.memory_space<vmem>>, vector<16xf32>,
      }
      %scan3A_1102 = arith.constant 400 : i32
      "tpu.region"() ({
        %run_scoped3A = tpu.sem_alloc : memref<!tpu.dma_semaphore, #tpu.memory_space<semaphore_mem>>
        %dma_start3A_1103 = arith.constant 0 : i32
        %dma_start3A_1104 = tpu.memref_slice %arg5[%add3A_12, %dma_start3A_1103] : memref<819200x64xf32, #tpu.memory_space<hbm>> -> memref<400x64xf32, #tpu.memory_space<hbm>>
        %dma_start3A_1105 = arith.constant 0 : i32
        %dma_start3A_1106 = tpu.memref_slice %arg5[%add3A_12, %dma_start3A_1105] : memref<819200x64xf32, #tpu.memory_space<hbm>> -> memref<400x64xf32, #tpu.memory_space<hbm>>
        tpu.enqueue_dma source(%arg7 : memref<400x64xf32, #tpu.memory_space<vmem>>) target(%dma_start3A_1106 : memref<400x64xf32, #tpu.memory_space<hbm>>) target_semaphore(%run_scoped3A : memref<!tpu.dma_semaphore, #tpu.memory_space<semaphore_mem>>)
        %dma_wait3A_1107 = arith.constant 0 : i32
        %dma_wait3A_1108 = tpu.memref_slice %arg5[%add3A_12, %dma_wait3A_1107] : memref<819200x64xf32, #tpu.memory_space<hbm>> -> memref<400x64xf32, #tpu.memory_space<hbm>>
        %dma_wait3A_1109 = arith.constant 0 : i32
        %dma_wait3A_1110 = tpu.memref_slice %arg5[%add3A_12, %dma_wait3A_1109] : memref<819200x64xf32, #tpu.memory_space<hbm>> -> memref<400x64xf32, #tpu.memory_space<hbm>>
        tpu.wait_dma2 semaphore(%run_scoped3A : memref<!tpu.dma_semaphore, #tpu.memory_space<semaphore_mem>>) src(%arg7 : memref<400x64xf32, #tpu.memory_space<vmem>>) dst(%dma_wait3A_1110 : memref<400x64xf32, #tpu.memory_space<hbm>>)
        tpu.yield
      }) : () -> ()
    }
    %scan3A_6 = arith.constant 64 : i32
    return
  }
}

</mosaic_0001>

<sc_bundles>
// kernel: kernel.3.cloned.1.call-start
scs
__scs_entry_jumppad:
0x0: {  	(pc) =	sbr.rel $0x88, $3  }
0x1: {  	(tag) =	ssettag $0x0;
	lr =	simm.s32 $0x1  }
0x2: {  	[smem:$0x3F9E] =	sst lr;
	_ =	strace $0xD0000000  }
0x3: {  	_ = 	snop  }
0x4: {  	_ = 	snop  }
0x5: {  	_ = 	snop  }
0x6: {  	_ = 	snop  }
0x7: {  	_ = 	snop  }
__scs_overlays_trampoline_lowered:
0x8: {  	[smem:$0x3FAD] =	sst s0  }
0x9: {  	[smem:$0x3FAE] =	sst s1  }
0xa: {  	[smem:$0x3FAF] =	sst s2  }
0xb: {  	[smem:$0x3FB0] =	sst s3  }
0xc: {  	[smem:$0x3FB1] =	sst s4  }
0xd: {  	[smem:$0x3FB2] =	sst s5  }
0xe: {  	[smem:$0x3FB3] =	sst s6  }
0xf: {  	[smem:$0x3FB4] =	sst s7  }
0x10: {  	[smem:$0x3FB5] =	sst s8  }
0x11: {  	[smem:$0x3FB6] =	sst s9;
	s0 =	simm.s32 @!p0 $0x0  }
0x12: {  	s1 =	sld [smem:$0x3F9C];
	s0 =	simm.s32 @p0 $0x1  }
0x13: {  	[smem:$0x3FB7] =	sst s0;
	s0 =	simm.s32 @!p1 $0x0  }
0x14: {  	s2 =	sld [smem:$0x3F9B];
	s0 =	simm.s32 @p1 $0x1  }
0x15: {  	[smem:$0x3FB8] =	sst s0;
	s0 =	simm.s32 @!p2 $0x0  }
0x16: {  	s3 =	sld [smem:$0x3FDB];
	s0 =	simm.s32 @p2 $0x1  }
0x17: {  	s4 =	simm.s32 $0x1BF5;
	[smem:$0x3FBA] =	sst s0  }
0x18: {  	s0 =	sld [smem:$0x3F9D];
	_ =	swait.ge [sflag:s4], $0x0  }
0x19: {  	s7 =	sld [smem:$0x3F9E]  }
0x1a: {  	s8 =	sadd.s32 $0xFFFFE003, lr  }
0x1b: {  	s9 =	sadd.s32 $0xFFFFFEF7, lr;
	s5 =	simm.s32 $0xFFFFFFFF;
	p2 =	slt.u32 s8, $0xFFFFF086  }
0x1c: {  	p1 =	slt.u32 s9, $0xF7A;
	s5 =	simm.s32 @!p2 $0x0  }
0x1d: {  	s5 =	simm.s32 @p1 $0x1;
	p0 =	seq.s32 s7, s2  }
0x1e: {  	s7 =	smul.u32 @!p0 $0xF7A, s2;
	p2 =	seq.s32 @!p0 s5, $0x0  }
0x1f: {  	s9 =	smul.u32 $0xF7A, s1;
	s8 =	simm.s32 @!p0 $0x1BF5;
	p2 =	por !p2, p0  }
0x20: {  	[sflag:s8] =	ssyncset.s32 @!p0 $0xFFFFF086;
	s6 =	sadd.s32 @!p0 s3, s7;
	s7 =	simm.s32 @!p0 $0x108  }
0x21: {  	s3 =	sadd.s32 s3, s9;
	s6 =	sadd.s32 @!p0 $0x88, s6;
	s7 =	simm.s32 @p2 $0x1082  }
0x22: {  	[simem:s7], [sflag:s8] =	dma.local @!p0 [hbm:s6], $0xF7A  }
0x23: {  	s9 =	sor.u32 $0xD0000000, s2;
	s6 =	simm.s32 $0x108;
	_ =	swait.ge @!p0 [sflag:s8], $0x0  }
0x24: {  	s3 =	sadd.s32 $0x88, s3;
	s6 =	simm.s32 @!p1 $0x1082;
	[sflag:s4] =	ssyncset.s32 $0xFFFFF086  }
0x25: {  	[simem:s6], [sflag:s4] =	dma.local [hbm:s3], $0xF7A  }
0x26: {  	[smem:$0x3F9E] =	sst s1;
	(tag) =	ssettag s2;
	_ =	strace s9  }
0x27: {  	s1 =	sld [smem:$0x3FAE]  }
0x28: {  	s2 =	sld [smem:$0x3FAF]  }
0x29: {  	s4 =	sld [smem:$0x3FB1]  }
0x2a: {  	p0 =	seq.s32 s5, $0x0;
	s5 =	sld [smem:$0x3FB2]  }
0x2b: {  	s6 =	sld [smem:$0x3FB3]  }
0x2c: {  	s7 =	sld [smem:$0x3FB4]  }
0x2d: {  	s3 =	simm.s32 $0x108;
	s8 =	sld [smem:$0x3FB5]  }
0x2e: {  	s3 =	simm.s32 @!p0 $0x1082;
	s9 =	sld [smem:$0x3FB6]  }
0x2f: {  	lr =	sadd.s32 s0, s3;
	s0 =	sld [smem:$0x3FAD]  }
0x30: {  	s3 =	sld [smem:$0x3FB0]  }
0x31: {  	[smem:$0x3FB9] =	sst s10  }
0x32: {  	s10 =	sld [smem:$0x3FB7];
	_ =	sdelay $0x3  }
0x33: {  	p0 =	seq.s32 s10, $0x1;
	s10 =	sld [smem:$0x3FB9];
	_ =	sdelay $0x3  }
0x34: {  	[smem:$0x3FB9] =	sst s10  }
0x35: {  	s10 =	sld [smem:$0x3FB8];
	_ =	sdelay $0x3  }
0x36: {  	p1 =	seq.s32 s10, $0x1;
	s10 =	sld [smem:$0x3FB9];
	_ =	sdelay $0x3  }
0x37: {  	[smem:$0x3FB9] =	sst s10  }
0x38: {  	s10 =	sld [smem:$0x3FBA]  }
0x39: {  	_ = 	snop;
	(pc) =	sbr.ind lr, $3  }
0x3a: {  	_ = 	snop  }
0x3b: {  	_ = 	snop  }
0x3c: {  	p2 =	seq.s32 s10, $0x1;
	s10 =	sld [smem:$0x3FB9]  }
0x3d: {  	_ =	shalt  }
0x3e: {  	_ =	shalt  }
0x3f: {  	_ =	shalt  }
0x40: {  	_ =	shalt  }
0x41: {  	_ =	shalt  }
0x42: {  	_ =	shalt  }
0x43: {  	_ =	shalt  }
0x44: {  	_ =	shalt  }
0x45: {  	_ =	shalt  }
0x46: {  	_ =	shalt  }
0x47: {  	_ =	shalt  }
0x48: {  	_ =	shalt  }
0x49: {  	_ =	shalt  }
0x4a: {  	_ =	shalt  }
0x4b: {  	_ =	shalt  }
0x4c: {  	_ =	shalt  }
0x4d: {  	_ =	shalt  }
0x4e: {  	_ =	shalt  }
0x4f: {  	_ =	shalt  }
0x50: {  	_ =	shalt  }
0x51: {  	_ =	shalt  }
0x52: {  	_ =	shalt  }
0x53: {  	_ =	shalt  }
0x54: {  	_ =	shalt  }
0x55: {  	_ =	shalt  }
0x56: {  	_ =	shalt  }
0x57: {  	_ =	shalt  }
0x58: {  	_ =	shalt  }
0x59: {  	_ =	shalt  }
0x5a: {  	_ =	shalt  }
0x5b: {  	_ =	shalt  }
0x5c: {  	_ =	shalt  }
0x5d: {  	_ =	shalt  }
0x5e: {  	_ =	shalt  }
0x5f: {  	_ =	shalt  }
0x60: {  	_ =	shalt  }
0x61: {  	_ =	shalt  }
0x62: {  	_ =	shalt  }
0x63: {  	_ =	shalt  }
0x64: {  	_ =	shalt  }
0x65: {  	_ =	shalt  }
0x66: {  	_ =	shalt  }
0x67: {  	_ =	shalt  }
0x68: {  	_ =	shalt  }
0x69: {  	_ =	shalt  }
0x6a: {  	_ =	shalt  }
0x6b: {  	_ =	shalt  }
0x6c: {  	_ =	shalt  }
0x6d: {  	_ =	shalt  }
0x6e: {  	_ =	shalt  }
0x6f: {  	_ =	shalt  }
0x70: {  	_ =	shalt  }
0x71: {  	_ =	shalt  }
0x72: {  	_ =	shalt  }
0x73: {  	_ =	shalt  }
0x74: {  	_ =	shalt  }
0x75: {  	_ =	shalt  }
0x76: {  	_ =	shalt  }
0x77: {  	_ =	shalt  }
0x78: {  	_ =	shalt  }
0x79: {  	_ =	shalt  }
0x7a: {  	_ =	shalt  }
0x7b: {  	_ =	shalt  }
0x7c: {  	_ =	shalt  }
0x7d: {  	_ =	shalt  }
0x7e: {  	_ =	shalt  }
0x7f: {  	_ =	shalt  }
0x80: {  	_ =	shalt  }
0x81: {  	_ =	shalt  }
0x82: {  	_ =	shalt  }
0x83: {  	_ =	shalt  }
0x84: {  	_ =	shalt  }
0x85: {  	_ =	shalt  }
0x86: {  	_ =	shalt  }
0x87: {  	_ =	shalt  }
.Lfunc_end0:
.L_simem_size_0:
called_computation.1_lowered:
.L_overlay_start_0:
0x88: {  	s2 =	sld [smem:$0x3FD9]  }
0x89: {  	s3 =	sld [smem:$0x3FFE];
	_ =	sdelay $0x1  }
0x8a: {  	s1 =	srdreg.scid  }
0x8b: {  	s0 =	sand.u32 $0x1, s1  }
0x8c: {  	s14 =	sshll.u32 s0, $0xA;
	s2 =	sadd.s32 s3, s2  }
0x8d: {  	s2 =	sadd.s32 s2, s14  }
0x8e: {  	[smem:$0x3FC5] =	sst s2  }
0x8f: {  	_ = 	snop  }
0x90: {  	s2 =	sld [smem:$0x3FD0];
	_ =	sdelay $0x2  }
0x91: {  	s15 =	simm.s32 $0xA;
	s4 =	simm.s32 $0x10  }
0x92: {  	[smem:s4], [sflag:s15] =	dma.local [hbm:s2], $0x1  }
0x93: {  	_ =	swait.eq [sflag:s15], $0x1  }
0x94: {  	[sflag:s15] =	ssyncset.done $0x0  }
0x95: {  	s16 =	sld [smem:$0x10];
	[sflag:s15] =	ssyncadd.s32 $0xFFFFFFFF  }
0x96: {  	s17 =	sld [smem:$0x11];
	(tm) =	ssettm $0x1  }
0x97: {  	s18 =	sld [smem:$0x3FFB];
	_ =	sdelay $0x3  }
0x98: {  	_ =	strace s18  }
0x99: {  	s4 =	sld [smem:$0x3FFC];
	_ =	sdelay $0x3  }
0x9a: {  	_ =	strace s4  }
0x9b: {  	s4 =	sld [smem:$0x3FFD];
	_ =	sdelay $0x3  }
0x9c: {  	_ =	strace s4  }
0x9d: {  	_ =	strace $0x8FFFFFFF  }
0x9e: {  	s19 =	sld [smem:$0x3FDB];
	_ =	sdelay $0x1  }
0x9f: {  	s5 =	simm.s32 $_scs_section_size  }
0xa0: {  	s6 =	simm.s32 $_size__tile_overlayer_lowered;
	s7 =	simm.s32 $_tile_overlayer_lowered  }
0xa1: {  	s22 =	simm.s32 $0x1BFF;
	s21 =	sshll.u32 s7, $0x1;
	s4 =	sadd.s32 s5, s19  }
0xa2: {  	s8 =	simm.s32 $0x0;
	s20 =	sshll.u32 s6, $0x1;
	s6 =	sadd.s32 s21, s4  }
0xa3: {  	[timem:s8], [sflag:s22] =	dma.local [hbm:s6], s20  }
0xa4: {  	_ =	swait.ge [sflag:s22], s20  }
0xa5: {  	s5 =	ssub.s32 $0x0, s20;
	[sflag:s22] =	ssyncset.done $0x0  }
0xa6: {  	[sflag:s22] =	ssyncadd.s32 s5;
	_ =	sdelay $0x1  }
0xa7: {  	s23 =	simm.s32 $0x1B8B  }
0xa8: {  	_ =	swait.ge [sflag:s23], $0x1  }
0xa9: {  	[sflag:s23] =	ssyncset.done $0x0  }
0xaa: {  	s25 =	simm.s32 $0x1B8E;
	s24 =	sld [smem:$0x3FFE];
	[sflag:s23] =	ssyncadd.s32 $0xFFFFFFFF  }
0xab: {  	s26 =	simm.s32 $execute0_lowered;
	[smem:$0x3FD2] =	sst s25  }
0xac: {  	s6 =	sshll.u32 s26, $0x1;
	_ =	strace $0x80000046;
	[dreg:$0x1] =	wrdreg $0xFFFFFFFF  }
0xad: {  	s28 =	simm.s32 $_size_execute0_lowered;
	s4 =	sadd.s32 s4, s6;
	[dreg:$0x0] =	wrdreg $0x0  }
0xae: {  	s6 =	sshll.u32 s28, $0x1;
	[dreg:$0x2] =	wrdreg s4  }
0xaf: {  	[dreg:$0x3] =	wrdreg s6  }
0xb0: {  	[dreg:$0x4] =	wrdreg $0xC0  }
0xb1: {  	_ =	task [dreg:s8], $0x5FFFF  }
0xb2: {  	[dreg:$0x1] =	wrdreg $0xFFFFFFFF  }
0xb3: {  	[dreg:$0x0] =	wrdreg $0x60  }
0xb4: {  	[dreg:$0x2] =	wrdreg s24  }
0xb5: {  	[dreg:$0x3] =	wrdreg s17  }
0xb6: {  	[dreg:$0x4] =	wrdreg s16  }
0xb7: {  	[dreg:$0x5] =	wrdreg $0x9  }
0xb8: {  	_ =	task.clear_ibuf [dreg:s8], $0x6FFFF;
	_ =	strace $0x90000046  }
0xb9: {  	s29 =	simm.s32 $0x9;
	_ =	strace $0x80000048  }
0xba: {  	_ =	swait.ge [sflag:s29], $0x1  }
0xbb: {  	[sflag:s29] =	ssyncadd.s32 $0xFFFFFFFF  }
0xbc: {  	_ =	strace $0x90000048  }
0xbd: {  	_ =	sfence  }
0xbe: {  	s30 =	sld [smem:$0x0];
	_ =	sdelay $0x2  }
0xbf: {  	s31 =	sshll.u32 s1, $0xD;
	s1 =	sshrl.u32 s1, $0x2  }
0xc0: {  	s3 =	sand.u32 $0x4000, s31;
	s1 =	sadd.s32 s1, s30  }
0xc1: {  	s0 =	sor.u32 s3, s0;
	s1 =	sshll.u32 s1, $0x11  }
0xc2: {  	s0 =	sor.u32 s1, s0  }
0xc3: {  	s0 =	sadd.s32 $0x8F2B, s0  }
0xc4: {  	[sflag:s0] =	ssyncadd.remote.s32 $0x1  }
0xc5: {  	_ =	sfence.sel $0xFFFF  }
0xc6: {  	[dreg:$0x0] =	wrdreg $0xFFFFFFFF;
	(pc) =	sbr.abs _section_cstart, $3  }
0xc7: {  	[dreg:$0x1] =	wrdreg $0xFFFFFFFF  }
0xc8: {  	_ =	task.clear_ibuf [dreg:s8], $0x2FFFF;
	_ =	strace $0x9FFFFFFF  }
0xc9: {  	(tm) =	ssettm $0x7FFFFFFF  }
tec
execute0_lowered:
.L_overlay_start_1:
0x0: {  	(tag) =	ssettag $0x1  }
0x1: {  	s0 =	rddreg [dreg:$0x0]  }
0x2: {  	s1 =	rddreg [dreg:$0x1]  }
0x3: {  	s3 =	simm.s32 $0x0;
	s2 =	srdreg.scid;
	s4 =	stileid.u32  }
0x4: {  	s9 =	simm.s32 $0x3;
	s10 =	simm.s32 $0x190;
	s19 =	simm.s32 $0x4390  }
0x5: {  	s20 =	simm.s32 $0xA790;
	s21 =	simm.s32 $0x4790;
	s22 =	simm.s32 $0xAB90  }
0x6: {  	s23 =	simm.s32 $0x4B90;
	s24 =	simm.s32 $0xAF90;
	s28 =	simm.s32 $0x5390  }
0x7: {  	s29 =	simm.s32 $0xB790;
	s30 =	simm.s32 $0x5790;
	s31 =	simm.s32 $0xBB90  }
0x8: {  	s8 =	simm.s32 $0x5F90;
	s11 =	simm.s32 $0xC590;
	s12 =	simm.s32 $0x1  }
0x9: {  	s13 =	simm.s32 $0x2;
	s15 =	simm.s32 $0x0;
	[smem:$0x7FF] =	sst s3  }
0xa: {  	s2 =	sand.u32 $0x1, s2;
	s4 =	sshll.u32 s4, $0x1;
	s5 =	sadd.s32 $0xE00, s0  }
0xb: {  	s6 =	sadd.s32 $0xF43200, s0;
	s3 =	simm.s32 $0xBF90;
	s25 =	ssub.s32 $0x2, s2  }
0xc: {  	_ =	strace $0x80000047;
	s2 =	sor.u32 s2, s4;
	s7 =	sshrl.u32 s25, $0x1  }
0xd: {  	v0 =	vlaneseq.u32;
	s4 =	simm.s32 $0x6190;
	s26 =	ssub.s32 s25, s7;
	s7 =	smul.u32 $0x6400, s2  }
0xe: {  	v0 =	vshrl.u32 v0, $0x3;
	s25 =	simm.s32 $0x4F90;
	s2 =	simm.s32 $0xC390;
	s0 =	smax.u32 s26, $0x1  }
0xf: {  	vm0 =	vmmov $0xffff;
	v0 =	vadd.s32 $0xFFFFFFFF, v0;
	s26 =	simm.s32 $0xB390;
	[dreg:$0x4] =	wrdreg s0;
	s0 =	simm.s32 $0x5B90  }
.LBB2_1:
0x10: {  	[dreg:$0x5] =	wrdreg s15;
	s14 =	simm.s32 $0x0  }
.LBB2_2:
0x11: {  	s15 =	smul.u32 $0x190, s14;
	_ =	sdelay $0x1  }
0x12: {  	s15 =	sadd.s32 s7, s15  }
0x13: {  	s16 =	sshrl.u32 s15, $0x3  }
0x14: {  	s17 =	sadd.s32 s5, s16;
	s16 =	simm.s32 $0x0  }
0x15: {  	[tilespmem:s16], [sflag:$0x3] =	stream.linear.gather [hbm4b:s17+s16], $0x190, $0x38;
	[tilespmem:$0xC990] =	vst v63  }
0x16: {  	_ =	swait.ge [sflag:s9], $0x190  }
0x17: {  	[sflag:s9] =	ssyncset.done $0x0  }
0x18: {  	[sflag:s9] =	ssyncadd.s32 $0xFFFFFE70  }
0x19: {  	v1 =	vld [tilespmem:$0x0];
	_ =	sdelay $0x4  }
0x1a: {  	vm1 =	vlt.s32 v1, $0x1  }
0x1b: {  	v2 =	vnsel vm1, $0x1, v1  }
0x1c: {  	(xrf0) =	vadd.scan.msk.s32 $0xffff, v2;
	_ =	sdelay $0x5  }
0x1d: {  	v3, _, _ =	vpop (xrf0)  }
0x1e: {  	v2 =	vmul.u32 v2, v3;
	_ =	sdelay $0x3  }
0x1f: {  	[tilespmem:s10], [sflag:$0x1] =	stream.indirect_vreg.gather [hbm4b:s6+s16], $0x40, v1, vm0, $0xb8;
	[tilespmem:$0xC990] =	vst v63  }
0x20: {  	s18 =	simm.s32 $0x6590  }
0x21: {  	[tilespmem:s18], [sflag:$0x2] =	stream.indirect_vreg.gather [hbm4b:s1+s16], $0x40, v2, vm0, $0xb8;
	[tilespmem:$0xC990] =	vst v63  }
0x22: {  	v1 =	vld [tilespmem:$0x10];
	_ =	sdelay $0x4  }
0x23: {  	vm1 =	vlt.s32 v1, $0x1  }
0x24: {  	v2 =	vnsel vm1, $0x1, v1  }
0x25: {  	(xrf0) =	vadd.scan.msk.s32 $0xffff, v2;
	_ =	sdelay $0x4  }
0x26: {  	v4 =	vbroadcast v3, $0xF  }
0x27: {  	v5, _, _ =	vpop (xrf0)  }
0x28: {  	v4 =	vadd.s32 v4, v5  }
0x29: {  	v2 =	vmul.u32 v2, v4;
	_ =	sdelay $0x2  }
0x2a: {  	s18 =	simm.s32 $0x590  }
0x2b: {  	[tilespmem:s18], [sflag:$0x1] =	stream.indirect_vreg.gather [hbm4b:s6+s16], $0x40, v1, vm0, $0xb8;
	[tilespmem:$0xC990] =	vst v63  }
0x2c: {  	s18 =	simm.s32 $0x6990  }
0x2d: {  	[tilespmem:s18], [sflag:$0x2] =	stream.indirect_vreg.gather [hbm4b:s1+s16], $0x40, v2, vm0, $0xb8;
	[tilespmem:$0xC990] =	vst v63  }
0x2e: {  	v1 =	vld [tilespmem:$0x20];
	_ =	sdelay $0x4  }
0x2f: {  	vm1 =	vlt.s32 v1, $0x1  }
0x30: {  	v2 =	vnsel vm1, $0x1, v1  }
0x31: {  	(xrf0) =	vadd.scan.msk.s32 $0xffff, v2;
	_ =	sdelay $0x3  }
0x32: {  	v3 =	vadd.s32 v3, v5  }
0x33: {  	v4 =	vbroadcast v3, $0xF  }
0x34: {  	v5, _, _ =	vpop (xrf0)  }
0x35: {  	v4 =	vadd.s32 v4, v5  }
0x36: {  	v2 =	vmul.u32 v2, v4;
	_ =	sdelay $0x2  }
0x37: {  	s18 =	simm.s32 $0x990  }
0x38: {  	[tilespmem:s18], [sflag:$0x1] =	stream.indirect_vreg.gather [hbm4b:s6+s16], $0x40, v1, vm0, $0xb8;
	[tilespmem:$0xC990] =	vst v63  }
0x39: {  	s18 =	simm.s32 $0x6D90  }
0x3a: {  	[tilespmem:s18], [sflag:$0x2] =	stream.indirect_vreg.gather [hbm4b:s1+s16], $0x40, v2, vm0, $0xb8;
	[tilespmem:$0xC990] =	vst v63  }
0x3b: {  	v1 =	vld [tilespmem:$0x30];
	_ =	sdelay $0x4  }
0x3c: {  	vm1 =	vlt.s32 v1, $0x1  }
0x3d: {  	v2 =	vnsel vm1, $0x1, v1  }
0x3e: {  	(xrf0) =	vadd.scan.msk.s32 $0xffff, v2;
	_ =	sdelay $0x3  }
0x3f: {  	v3 =	vadd.s32 v3, v5  }
0x40: {  	v4 =	vbroadcast v3, $0xF  }
0x41: {  	v5, _, _ =	vpop (xrf0)  }
0x42: {  	v4 =	vadd.s32 v4, v5  }
0x43: {  	v2 =	vmul.u32 v2, v4;
	_ =	sdelay $0x2  }
0x44: {  	s18 =	simm.s32 $0xD90  }
0x45: {  	[tilespmem:s18], [sflag:$0x1] =	stream.indirect_vreg.gather [hbm4b:s6+s16], $0x40, v1, vm0, $0xb8;
	[tilespmem:$0xC990] =	vst v63  }
0x46: {  	s18 =	simm.s32 $0x7190  }
0x47: {  	[tilespmem:s18], [sflag:$0x2] =	stream.indirect_vreg.gather [hbm4b:s1+s16], $0x40, v2, vm0, $0xb8;
	[tilespmem:$0xC990] =	vst v63  }
0x48: {  	v1 =	vld [tilespmem:$0x40];
	_ =	sdelay $0x4  }
0x49: {  	vm1 =	vlt.s32 v1, $0x1  }
0x4a: {  	v2 =	vnsel vm1, $0x1, v1  }
0x4b: {  	(xrf0) =	vadd.scan.msk.s32 $0xffff, v2;
	_ =	sdelay $0x3  }
0x4c: {  	v3 =	vadd.s32 v3, v5  }
0x4d: {  	v4 =	vbroadcast v3, $0xF  }
0x4e: {  	v5, _, _ =	vpop (xrf0)  }
0x4f: {  	v4 =	vadd.s32 v4, v5  }
0x50: {  	v2 =	vmul.u32 v2, v4;
	_ =	sdelay $0x2  }
0x51: {  	s18 =	simm.s32 $0x1190  }
0x52: {  	[tilespmem:s18], [sflag:$0x1] =	stream.indirect_vreg.gather [hbm4b:s6+s16], $0x40, v1, vm0, $0xb8;
	[tilespmem:$0xC990] =	vst v63  }
0x53: {  	s18 =	simm.s32 $0x7590  }
0x54: {  	[tilespmem:s18], [sflag:$0x2] =	stream.indirect_vreg.gather [hbm4b:s1+s16], $0x40, v2, vm0, $0xb8;
	[tilespmem:$0xC990] =	vst v63  }
0x55: {  	v1 =	vld [tilespmem:$0x50];
	_ =	sdelay $0x4  }
0x56: {  	vm1 =	vlt.s32 v1, $0x1  }
0x57: {  	v2 =	vnsel vm1, $0x1, v1  }
0x58: {  	(xrf0) =	vadd.scan.msk.s32 $0xffff, v2;
	_ =	sdelay $0x3  }
0x59: {  	v3 =	vadd.s32 v3, v5  }
0x5a: {  	v4 =	vbroadcast v3, $0xF  }
0x5b: {  	v5, _, _ =	vpop (xrf0)  }
0x5c: {  	v4 =	vadd.s32 v4, v5  }
0x5d: {  	v2 =	vmul.u32 v2, v4;
	_ =	sdelay $0x2  }
0x5e: {  	s18 =	simm.s32 $0x1590  }
0x5f: {  	[tilespmem:s18], [sflag:$0x1] =	stream.indirect_vreg.gather [hbm4b:s6+s16], $0x40, v1, vm0, $0xb8;
	[tilespmem:$0xC990] =	vst v63  }
0x60: {  	s18 =	simm.s32 $0x7990  }
0x61: {  	[tilespmem:s18], [sflag:$0x2] =	stream.indirect_vreg.gather [hbm4b:s1+s16], $0x40, v2, vm0, $0xb8;
	[tilespmem:$0xC990] =	vst v63  }
0x62: {  	v1 =	vld [tilespmem:$0x60];
	_ =	sdelay $0x4  }
0x63: {  	vm1 =	vlt.s32 v1, $0x1  }
0x64: {  	v2 =	vnsel vm1, $0x1, v1  }
0x65: {  	(xrf0) =	vadd.scan.msk.s32 $0xffff, v2;
	_ =	sdelay $0x3  }
0x66: {  	v3 =	vadd.s32 v3, v5  }
0x67: {  	v4 =	vbroadcast v3, $0xF  }
0x68: {  	v5, _, _ =	vpop (xrf0)  }
0x69: {  	v4 =	vadd.s32 v4, v5  }
0x6a: {  	v2 =	vmul.u32 v2, v4;
	_ =	sdelay $0x2  }
0x6b: {  	s18 =	simm.s32 $0x1990  }
0x6c: {  	[tilespmem:s18], [sflag:$0x1] =	stream.indirect_vreg.gather [hbm4b:s6+s16], $0x40, v1, vm0, $0xb8;
	[tilespmem:$0xC990] =	vst v63  }
0x6d: {  	s18 =	simm.s32 $0x7D90  }
0x6e: {  	[tilespmem:s18], [sflag:$0x2] =	stream.indirect_vreg.gather [hbm4b:s1+s16], $0x40, v2, vm0, $0xb8;
	[tilespmem:$0xC990] =	vst v63  }
0x6f: {  	v1 =	vld [tilespmem:$0x70];
	_ =	sdelay $0x4  }
0x70: {  	vm1 =	vlt.s32 v1, $0x1  }
0x71: {  	v2 =	vnsel vm1, $0x1, v1  }
0x72: {  	(xrf0) =	vadd.scan.msk.s32 $0xffff, v2;
	_ =	sdelay $0x3  }
0x73: {  	v3 =	vadd.s32 v3, v5  }
0x74: {  	v4 =	vbroadcast v3, $0xF  }
0x75: {  	v5, _, _ =	vpop (xrf0)  }
0x76: {  	v4 =	vadd.s32 v4, v5  }
0x77: {  	v2 =	vmul.u32 v2, v4;
	_ =	sdelay $0x2  }
0x78: {  	s18 =	simm.s32 $0x1D90  }
0x79: {  	[tilespmem:s18], [sflag:$0x1] =	stream.indirect_vreg.gather [hbm4b:s6+s16], $0x40, v1, vm0, $0xb8;
	[tilespmem:$0xC990] =	vst v63  }
0x7a: {  	s18 =	simm.s32 $0x8190  }
0x7b: {  	[tilespmem:s18], [sflag:$0x2] =	stream.indirect_vreg.gather [hbm4b:s1+s16], $0x40, v2, vm0, $0xb8;
	[tilespmem:$0xC990] =	vst v63  }
0x7c: {  	v1 =	vld [tilespmem:$0x80];
	_ =	sdelay $0x4  }
0x7d: {  	vm1 =	vlt.s32 v1, $0x1  }
0x7e: {  	v2 =	vnsel vm1, $0x1, v1  }
0x7f: {  	(xrf0) =	vadd.scan.msk.s32 $0xffff, v2;
	_ =	sdelay $0x3  }
0x80: {  	v3 =	vadd.s32 v3, v5  }
0x81: {  	v4 =	vbroadcast v3, $0xF  }
0x82: {  	v5, _, _ =	vpop (xrf0)  }
0x83: {  	v4 =	vadd.s32 v4, v5  }
0x84: {  	v2 =	vmul.u32 v2, v4;
	_ =	sdelay $0x2  }
0x85: {  	s18 =	simm.s32 $0x2190  }
0x86: {  	[tilespmem:s18], [sflag:$0x1] =	stream.indirect_vreg.gather [hbm4b:s6+s16], $0x40, v1, vm0, $0xb8;
	[tilespmem:$0xC990] =	vst v63  }
0x87: {  	s18 =	simm.s32 $0x8590  }
0x88: {  	[tilespmem:s18], [sflag:$0x2] =	stream.indirect_vreg.gather [hbm4b:s1+s16], $0x40, v2, vm0, $0xb8;
	[tilespmem:$0xC990] =	vst v63  }
0x89: {  	v1 =	vld [tilespmem:$0x90];
	_ =	sdelay $0x4  }
0x8a: {  	vm1 =	vlt.s32 v1, $0x1  }
0x8b: {  	v2 =	vnsel vm1, $0x1, v1  }
0x8c: {  	(xrf0) =	vadd.scan.msk.s32 $0xffff, v2;
	_ =	sdelay $0x3  }
0x8d: {  	v3 =	vadd.s32 v3, v5  }
0x8e: {  	v4 =	vbroadcast v3, $0xF  }
0x8f: {  	v5, _, _ =	vpop (xrf0)  }
0x90: {  	v4 =	vadd.s32 v4, v5  }
0x91: {  	v2 =	vmul.u32 v2, v4;
	_ =	sdelay $0x2  }
0x92: {  	s18 =	simm.s32 $0x2590  }
0x93: {  	[tilespmem:s18], [sflag:$0x1] =	stream.indirect_vreg.gather [hbm4b:s6+s16], $0x40, v1, vm0, $0xb8;
	[tilespmem:$0xC990] =	vst v63  }
0x94: {  	s18 =	simm.s32 $0x8990  }
0x95: {  	[tilespmem:s18], [sflag:$0x2] =	stream.indirect_vreg.gather [hbm4b:s1+s16], $0x40, v2, vm0, $0xb8;
	[tilespmem:$0xC990] =	vst v63  }
0x96: {  	v1 =	vld [tilespmem:$0xA0];
	_ =	sdelay $0x4  }
0x97: {  	vm1 =	vlt.s32 v1, $0x1  }
0x98: {  	v2 =	vnsel vm1, $0x1, v1  }
0x99: {  	(xrf0) =	vadd.scan.msk.s32 $0xffff, v2;
	_ =	sdelay $0x3  }
0x9a: {  	v3 =	vadd.s32 v3, v5  }
0x9b: {  	v4 =	vbroadcast v3, $0xF  }
0x9c: {  	v5, _, _ =	vpop (xrf0)  }
0x9d: {  	v4 =	vadd.s32 v4, v5  }
0x9e: {  	v2 =	vmul.u32 v2, v4;
	_ =	sdelay $0x2  }
0x9f: {  	s18 =	simm.s32 $0x2990  }
0xa0: {  	[tilespmem:s18], [sflag:$0x1] =	stream.indirect_vreg.gather [hbm4b:s6+s16], $0x40, v1, vm0, $0xb8;
	[tilespmem:$0xC990] =	vst v63  }
0xa1: {  	s18 =	simm.s32 $0x8D90  }
0xa2: {  	[tilespmem:s18], [sflag:$0x2] =	stream.indirect_vreg.gather [hbm4b:s1+s16], $0x40, v2, vm0, $0xb8;
	[tilespmem:$0xC990] =	vst v63  }
0xa3: {  	v1 =	vld [tilespmem:$0xB0];
	_ =	sdelay $0x4  }
0xa4: {  	vm1 =	vlt.s32 v1, $0x1  }
0xa5: {  	v2 =	vnsel vm1, $0x1, v1  }
0xa6: {  	(xrf0) =	vadd.scan.msk.s32 $0xffff, v2;
	_ =	sdelay $0x3  }
0xa7: {  	v3 =	vadd.s32 v3, v5  }
0xa8: {  	v4 =	vbroadcast v3, $0xF  }
0xa9: {  	v5, _, _ =	vpop (xrf0)  }
0xaa: {  	v4 =	vadd.s32 v4, v5  }
0xab: {  	v4 =	vmul.u32 v2, v4;
	_ =	sdelay $0x2  }
0xac: {  	s18 =	simm.s32 $0x2D90  }
0xad: {  	[tilespmem:s18], [sflag:$0x1] =	stream.indirect_vreg.gather [hbm4b:s6+s16], $0x40, v1, vm0, $0xb8;
	[tilespmem:$0xC990] =	vst v63  }
0xae: {  	s18 =	simm.s32 $0x9190  }
0xaf: {  	[tilespmem:s18], [sflag:$0x2] =	stream.indirect_vreg.gather [hbm4b:s1+s16], $0x40, v4, vm0, $0xb8;
	[tilespmem:$0xC990] =	vst v63  }
0xb0: {  	v1 =	vld [tilespmem:$0xB8];
	_ =	sdelay $0x2  }
0xb1: {  	v2 =	vand.u32 v0, v2  }
0xb2: {  	(xrf0) =	vadd.scan.msk.s32 $0xffff, v2  }
0xb3: {  	vm1 =	vlt.s32 v1, $0x1  }
0xb4: {  	v2 =	vnsel vm1, $0x1, v1  }
0xb5: {  	(xrf0) =	vadd.scan.msk.s32 $0xffff, v2;
	_ =	sdelay $0x2  }
0xb6: {  	v4, _, _ =	vpop (xrf0)  }
0xb7: {  	v3 =	vadd.s32 v3, v4  }
0xb8: {  	v3 =	vbroadcast v3, $0xF  }
0xb9: {  	v4, _, _ =	vpop (xrf0)  }
0xba: {  	v3 =	vadd.s32 v3, v4  }
0xbb: {  	v2 =	vmul.u32 v2, v3;
	_ =	sdelay $0x2  }
0xbc: {  	s18 =	simm.s32 $0x2F90  }
0xbd: {  	[tilespmem:s18], [sflag:$0x1] =	stream.indirect_vreg.gather [hbm4b:s6+s16], $0x40, v1, vm0, $0xb8;
	[tilespmem:$0xC990] =	vst v63  }
0xbe: {  	s18 =	simm.s32 $0x9390  }
0xbf: {  	[tilespmem:s18], [sflag:$0x2] =	stream.indirect_vreg.gather [hbm4b:s1+s16], $0x40, v2, vm0, $0xb8;
	[tilespmem:$0xC990] =	vst v63  }
0xc0: {  	v1 =	vld [tilespmem:$0xC8];
	_ =	sdelay $0x4  }
0xc1: {  	vm1 =	vlt.s32 v1, $0x1  }
0xc2: {  	v2 =	vnsel vm1, $0x1, v1  }
0xc3: {  	(xrf0) =	vadd.scan.msk.s32 $0xffff, v2;
	_ =	sdelay $0x5  }
0xc4: {  	v3, _, _ =	vpop (xrf0)  }
0xc5: {  	v2 =	vmul.u32 v2, v3;
	_ =	sdelay $0x2  }
0xc6: {  	s18 =	simm.s32 $0x3390  }
0xc7: {  	[tilespmem:s18], [sflag:$0x1] =	stream.indirect_vreg.gather [hbm4b:s6+s16], $0x40, v1, vm0, $0xb8;
	[tilespmem:$0xC990] =	vst v63  }
0xc8: {  	s18 =	simm.s32 $0x9790  }
0xc9: {  	[tilespmem:s18], [sflag:$0x2] =	stream.indirect_vreg.gather [hbm4b:s1+s16], $0x40, v2, vm0, $0xb8;
	[tilespmem:$0xC990] =	vst v63  }
0xca: {  	v1 =	vld [tilespmem:$0xD8];
	_ =	sdelay $0x4  }
0xcb: {  	vm1 =	vlt.s32 v1, $0x1  }
0xcc: {  	v2 =	vnsel vm1, $0x1, v1  }
0xcd: {  	(xrf0) =	vadd.scan.msk.s32 $0xffff, v2;
	_ =	sdelay $0x4  }
0xce: {  	v4 =	vbroadcast v3, $0xF  }
0xcf: {  	v5, _, _ =	vpop (xrf0)  }
0xd0: {  	v4 =	vadd.s32 v4, v5  }
0xd1: {  	v2 =	vmul.u32 v2, v4;
	_ =	sdelay $0x2  }
0xd2: {  	s18 =	simm.s32 $0x3790  }
0xd3: {  	[tilespmem:s18], [sflag:$0x1] =	stream.indirect_vreg.gather [hbm4b:s6+s16], $0x40, v1, vm0, $0xb8;
	[tilespmem:$0xC990] =	vst v63  }
0xd4: {  	s18 =	simm.s32 $0x9B90  }
0xd5: {  	[tilespmem:s18], [sflag:$0x2] =	stream.indirect_vreg.gather [hbm4b:s1+s16], $0x40, v2, vm0, $0xb8;
	[tilespmem:$0xC990] =	vst v63  }
0xd6: {  	v1 =	vld [tilespmem:$0xE8];
	_ =	sdelay $0x4  }
0xd7: {  	vm1 =	vlt.s32 v1, $0x1  }
0xd8: {  	v2 =	vnsel vm1, $0x1, v1  }
0xd9: {  	(xrf0) =	vadd.scan.msk.s32 $0xffff, v2;
	_ =	sdelay $0x3  }
0xda: {  	v3 =	vadd.s32 v3, v5  }
0xdb: {  	v4 =	vbroadcast v3, $0xF  }
0xdc: {  	v5, _, _ =	vpop (xrf0)  }
0xdd: {  	v4 =	vadd.s32 v4, v5  }
0xde: {  	v2 =	vmul.u32 v2, v4;
	_ =	sdelay $0x2  }
0xdf: {  	s18 =	simm.s32 $0x3B90  }
0xe0: {  	[tilespmem:s18], [sflag:$0x1] =	stream.indirect_vreg.gather [hbm4b:s6+s16], $0x40, v1, vm0, $0xb8;
	[tilespmem:$0xC990] =	vst v63  }
0xe1: {  	s18 =	simm.s32 $0x9F90  }
0xe2: {  	[tilespmem:s18], [sflag:$0x2] =	stream.indirect_vreg.gather [hbm4b:s1+s16], $0x40, v2, vm0, $0xb8;
	[tilespmem:$0xC990] =	vst v63  }
0xe3: {  	v1 =	vld [tilespmem:$0xF8];
	_ =	sdelay $0x4  }
0xe4: {  	vm1 =	vlt.s32 v1, $0x1  }
0xe5: {  	v2 =	vnsel vm1, $0x1, v1  }
0xe6: {  	(xrf0) =	vadd.scan.msk.s32 $0xffff, v2;
	_ =	sdelay $0x3  }
0xe7: {  	v3 =	vadd.s32 v3, v5  }
0xe8: {  	v4 =	vbroadcast v3, $0xF  }
0xe9: {  	v5, _, _ =	vpop (xrf0)  }
0xea: {  	v4 =	vadd.s32 v4, v5  }
0xeb: {  	v2 =	vmul.u32 v2, v4;
	_ =	sdelay $0x2  }
0xec: {  	s18 =	simm.s32 $0x3F90  }
0xed: {  	[tilespmem:s18], [sflag:$0x1] =	stream.indirect_vreg.gather [hbm4b:s6+s16], $0x40, v1, vm0, $0xb8;
	[tilespmem:$0xC990] =	vst v63  }
0xee: {  	s18 =	simm.s32 $0xA390  }
0xef: {  	[tilespmem:s18], [sflag:$0x2] =	stream.indirect_vreg.gather [hbm4b:s1+s16], $0x40, v2, vm0, $0xb8;
	[tilespmem:$0xC990] =	vst v63  }
0xf0: {  	v1 =	vld [tilespmem:$0x108];
	_ =	sdelay $0x4  }
0xf1: {  	vm1 =	vlt.s32 v1, $0x1  }
0xf2: {  	v2 =	vnsel vm1, $0x1, v1  }
0xf3: {  	(xrf0) =	vadd.scan.msk.s32 $0xffff, v2;
	_ =	sdelay $0x3  }
0xf4: {  	v3 =	vadd.s32 v3, v5  }
0xf5: {  	v4 =	vbroadcast v3, $0xF  }
0xf6: {  	v5, _, _ =	vpop (xrf0)  }
0xf7: {  	v4 =	vadd.s32 v4, v5  }
0xf8: {  	v2 =	vmul.u32 v2, v4;
	_ =	sdelay $0x3  }
0xf9: {  	[tilespmem:s19], [sflag:$0x1] =	stream.indirect_vreg.gather [hbm4b:s6+s16], $0x40, v1, vm0, $0xb8;
	[tilespmem:$0xC990] =	vst v63  }
0xfa: {  	_ = 	snop  }
0xfb: {  	[tilespmem:s20], [sflag:$0x2] =	stream.indirect_vreg.gather [hbm4b:s1+s16], $0x40, v2, vm0, $0xb8;
	[tilespmem:$0xC990] =	vst v63  }
0xfc: {  	v1 =	vld [tilespmem:$0x118];
	_ =	sdelay $0x4  }
0xfd: {  	vm1 =	vlt.s32 v1, $0x1  }
0xfe: {  	v2 =	vnsel vm1, $0x1, v1  }
0xff: {  	(xrf0) =	vadd.scan.msk.s32 $0xffff, v2;
	_ =	sdelay $0x3  }
0x100: {  	v3 =	vadd.s32 v3, v5  }
0x101: {  	v4 =	vbroadcast v3, $0xF  }
0x102: {  	v5, _, _ =	vpop (xrf0)  }
0x103: {  	v4 =	vadd.s32 v4, v5  }
0x104: {  	v2 =	vmul.u32 v2, v4;
	_ =	sdelay $0x3  }
0x105: {  	[tilespmem:s21], [sflag:$0x1] =	stream.indirect_vreg.gather [hbm4b:s6+s16], $0x40, v1, vm0, $0xb8;
	[tilespmem:$0xC990] =	vst v63  }
0x106: {  	_ = 	snop  }
0x107: {  	[tilespmem:s22], [sflag:$0x2] =	stream.indirect_vreg.gather [hbm4b:s1+s16], $0x40, v2, vm0, $0xb8;
	[tilespmem:$0xC990] =	vst v63  }
0x108: {  	v1 =	vld [tilespmem:$0x128];
	_ =	sdelay $0x4  }
0x109: {  	vm1 =	vlt.s32 v1, $0x1  }
0x10a: {  	v2 =	vnsel vm1, $0x1, v1  }
0x10b: {  	(xrf0) =	vadd.scan.msk.s32 $0xffff, v2;
	_ =	sdelay $0x3  }
0x10c: {  	v3 =	vadd.s32 v3, v5  }
0x10d: {  	v4 =	vbroadcast v3, $0xF  }
0x10e: {  	v5, _, _ =	vpop (xrf0)  }
0x10f: {  	v4 =	vadd.s32 v4, v5  }
0x110: {  	v2 =	vmul.u32 v2, v4;
	_ =	sdelay $0x3  }
0x111: {  	[tilespmem:s23], [sflag:$0x1] =	stream.indirect_vreg.gather [hbm4b:s6+s16], $0x40, v1, vm0, $0xb8;
	[tilespmem:$0xC990] =	vst v63  }
0x112: {  	_ = 	snop  }
0x113: {  	[tilespmem:s24], [sflag:$0x2] =	stream.indirect_vreg.gather [hbm4b:s1+s16], $0x40, v2, vm0, $0xb8;
	[tilespmem:$0xC990] =	vst v63  }
0x114: {  	v1 =	vld [tilespmem:$0x138];
	_ =	sdelay $0x4  }
0x115: {  	vm1 =	vlt.s32 v1, $0x1  }
0x116: {  	v2 =	vnsel vm1, $0x1, v1  }
0x117: {  	(xrf0) =	vadd.scan.msk.s32 $0xffff, v2;
	_ =	sdelay $0x3  }
0x118: {  	v3 =	vadd.s32 v3, v5  }
0x119: {  	v4 =	vbroadcast v3, $0xF  }
0x11a: {  	v5, _, _ =	vpop (xrf0)  }
0x11b: {  	v4 =	vadd.s32 v4, v5  }
0x11c: {  	v2 =	vmul.u32 v2, v4;
	_ =	sdelay $0x3  }
0x11d: {  	[tilespmem:s25], [sflag:$0x1] =	stream.indirect_vreg.gather [hbm4b:s6+s16], $0x40, v1, vm0, $0xb8;
	[tilespmem:$0xC990] =	vst v63  }
0x11e: {  	_ = 	snop  }
0x11f: {  	[tilespmem:s26], [sflag:$0x2] =	stream.indirect_vreg.gather [hbm4b:s1+s16], $0x40, v2, vm0, $0xb8;
	[tilespmem:$0xC990] =	vst v63  }
0x120: {  	v1 =	vld [tilespmem:$0x148];
	_ =	sdelay $0x4  }
0x121: {  	vm1 =	vlt.s32 v1, $0x1  }
0x122: {  	v2 =	vnsel vm1, $0x1, v1  }
0x123: {  	(xrf0) =	vadd.scan.msk.s32 $0xffff, v2;
	_ =	sdelay $0x3  }
0x124: {  	v3 =	vadd.s32 v3, v5  }
0x125: {  	v4 =	vbroadcast v3, $0xF  }
0x126: {  	v5, _, _ =	vpop (xrf0)  }
0x127: {  	v4 =	vadd.s32 v4, v5  }
0x128: {  	v2 =	vmul.u32 v2, v4;
	_ =	sdelay $0x3  }
0x129: {  	[tilespmem:s28], [sflag:$0x1] =	stream.indirect_vreg.gather [hbm4b:s6+s16], $0x40, v1, vm0, $0xb8;
	[tilespmem:$0xC990] =	vst v63  }
0x12a: {  	_ = 	snop  }
0x12b: {  	[tilespmem:s29], [sflag:$0x2] =	stream.indirect_vreg.gather [hbm4b:s1+s16], $0x40, v2, vm0, $0xb8;
	[tilespmem:$0xC990] =	vst v63  }
0x12c: {  	v1 =	vld [tilespmem:$0x158];
	_ =	sdelay $0x4  }
0x12d: {  	vm1 =	vlt.s32 v1, $0x1  }
0x12e: {  	v2 =	vnsel vm1, $0x1, v1  }
0x12f: {  	(xrf0) =	vadd.scan.msk.s32 $0xffff, v2;
	_ =	sdelay $0x3  }
0x130: {  	v3 =	vadd.s32 v3, v5  }
0x131: {  	v4 =	vbroadcast v3, $0xF  }
0x132: {  	v5, _, _ =	vpop (xrf0)  }
0x133: {  	v4 =	vadd.s32 v4, v5  }
0x134: {  	v2 =	vmul.u32 v2, v4;
	_ =	sdelay $0x3  }
0x135: {  	[tilespmem:s30], [sflag:$0x1] =	stream.indirect_vreg.gather [hbm4b:s6+s16], $0x40, v1, vm0, $0xb8;
	[tilespmem:$0xC990] =	vst v63  }
0x136: {  	_ = 	snop  }
0x137: {  	[tilespmem:s31], [sflag:$0x2] =	stream.indirect_vreg.gather [hbm4b:s1+s16], $0x40, v2, vm0, $0xb8;
	[tilespmem:$0xC990] =	vst v63  }
0x138: {  	v1 =	vld [tilespmem:$0x168];
	_ =	sdelay $0x4  }
0x139: {  	vm1 =	vlt.s32 v1, $0x1  }
0x13a: {  	v2 =	vnsel vm1, $0x1, v1  }
0x13b: {  	(xrf0) =	vadd.scan.msk.s32 $0xffff, v2;
	_ =	sdelay $0x3  }
0x13c: {  	v3 =	vadd.s32 v3, v5  }
0x13d: {  	v4 =	vbroadcast v3, $0xF  }
0x13e: {  	v5, _, _ =	vpop (xrf0)  }
0x13f: {  	v4 =	vadd.s32 v4, v5  }
0x140: {  	v2 =	vmul.u32 v2, v4;
	_ =	sdelay $0x3  }
0x141: {  	[tilespmem:s0], [sflag:$0x1] =	stream.indirect_vreg.gather [hbm4b:s6+s16], $0x40, v1, vm0, $0xb8;
	[tilespmem:$0xC990] =	vst v63  }
0x142: {  	_ = 	snop  }
0x143: {  	[tilespmem:s3], [sflag:$0x2] =	stream.indirect_vreg.gather [hbm4b:s1+s16], $0x40, v2, vm0, $0xb8;
	[tilespmem:$0xC990] =	vst v63  }
0x144: {  	v1 =	vld [tilespmem:$0x178];
	_ =	sdelay $0x4  }
0x145: {  	vm1 =	vlt.s32 v1, $0x1  }
0x146: {  	v2 =	vnsel vm1, $0x1, v1  }
0x147: {  	(xrf0) =	vadd.scan.msk.s32 $0xffff, v2;
	_ =	sdelay $0x3  }
0x148: {  	v3 =	vadd.s32 v3, v5  }
0x149: {  	v4 =	vbroadcast v3, $0xF  }
0x14a: {  	v5, _, _ =	vpop (xrf0)  }
0x14b: {  	v4 =	vadd.s32 v4, v5  }
0x14c: {  	v4 =	vmul.u32 v2, v4;
	_ =	sdelay $0x3  }
0x14d: {  	[tilespmem:s8], [sflag:$0x1] =	stream.indirect_vreg.gather [hbm4b:s6+s16], $0x40, v1, vm0, $0xb8;
	[tilespmem:$0xC990] =	vst v63  }
0x14e: {  	_ = 	snop  }
0x14f: {  	[tilespmem:s2], [sflag:$0x2] =	stream.indirect_vreg.gather [hbm4b:s1+s16], $0x40, v4, vm0, $0xb8;
	[tilespmem:$0xC990] =	vst v63  }
0x150: {  	v1 =	vld [tilespmem:$0x180];
	_ =	sdelay $0x2  }
0x151: {  	v2 =	vand.u32 v0, v2  }
0x152: {  	(xrf0) =	vadd.scan.msk.s32 $0xffff, v2  }
0x153: {  	vm1 =	vlt.s32 v1, $0x1  }
0x154: {  	v2 =	vnsel vm1, $0x1, v1  }
0x155: {  	(xrf0) =	vadd.scan.msk.s32 $0xffff, v2;
	_ =	sdelay $0x2  }
0x156: {  	v4, _, _ =	vpop (xrf0)  }
0x157: {  	v3 =	vadd.s32 v3, v4  }
0x158: {  	v3 =	vbroadcast v3, $0xF  }
0x159: {  	v4, _, _ =	vpop (xrf0)  }
0x15a: {  	v3 =	vadd.s32 v3, v4  }
0x15b: {  	v2 =	vmul.u32 v2, v3;
	_ =	sdelay $0x3  }
0x15c: {  	[tilespmem:s4], [sflag:$0x1] =	stream.indirect_vreg.gather [hbm4b:s6+s16], $0x40, v1, vm0, $0xb8;
	[tilespmem:$0xC990] =	vst v63  }
0x15d: {  	_ = 	snop  }
0x15e: {  	[tilespmem:s11], [sflag:$0x2] =	stream.indirect_vreg.gather [hbm4b:s1+s16], $0x40, v2, vm0, $0xb8;
	[tilespmem:$0xC990] =	vst v63  }
0x15f: {  	_ =	swait.ge [sflag:s12], $0x400  }
0x160: {  	[sflag:s12] =	ssyncset.done $0x0  }
0x161: {  	[sflag:s12] =	ssyncadd.s32 $0xFFFFFC00  }
0x162: {  	_ =	swait.ge [sflag:s13], $0x400  }
0x163: {  	[sflag:s13] =	ssyncset.done $0x0  }
0x164: {  	[sflag:s13] =	ssyncadd.s32 $0xFFFFFC00  }
0x165: {  	_ =	swait.ge [sflag:s12], $0x400  }
0x166: {  	[sflag:s12] =	ssyncset.done $0x0  }
0x167: {  	[sflag:s12] =	ssyncadd.s32 $0xFFFFFC00  }
0x168: {  	_ =	swait.ge [sflag:s13], $0x400  }
0x169: {  	[sflag:s13] =	ssyncset.done $0x0  }
0x16a: {  	[sflag:s13] =	ssyncadd.s32 $0xFFFFFC00  }
0x16b: {  	_ =	swait.ge [sflag:s12], $0x400  }
0x16c: {  	[sflag:s12] =	ssyncset.done $0x0  }
0x16d: {  	[sflag:s12] =	ssyncadd.s32 $0xFFFFFC00  }
0x16e: {  	_ =	swait.ge [sflag:s13], $0x400  }
0x16f: {  	[sflag:s13] =	ssyncset.done $0x0  }
0x170: {  	[sflag:s13] =	ssyncadd.s32 $0xFFFFFC00  }
0x171: {  	_ =	swait.ge [sflag:s12], $0x400  }
0x172: {  	[sflag:s12] =	ssyncset.done $0x0  }
0x173: {  	[sflag:s12] =	ssyncadd.s32 $0xFFFFFC00  }
0x174: {  	_ =	swait.ge [sflag:s13], $0x400  }
0x175: {  	[sflag:s13] =	ssyncset.done $0x0  }
0x176: {  	[sflag:s13] =	ssyncadd.s32 $0xFFFFFC00  }
0x177: {  	_ =	swait.ge [sflag:s12], $0x400  }
0x178: {  	[sflag:s12] =	ssyncset.done $0x0  }
0x179: {  	[sflag:s12] =	ssyncadd.s32 $0xFFFFFC00  }
0x17a: {  	_ =	swait.ge [sflag:s13], $0x400  }
0x17b: {  	[sflag:s13] =	ssyncset.done $0x0  }
0x17c: {  	[sflag:s13] =	ssyncadd.s32 $0xFFFFFC00  }
0x17d: {  	_ =	swait.ge [sflag:s12], $0x400  }
0x17e: {  	[sflag:s12] =	ssyncset.done $0x0  }
0x17f: {  	[sflag:s12] =	ssyncadd.s32 $0xFFFFFC00  }
0x180: {  	_ =	swait.ge [sflag:s13], $0x400  }
0x181: {  	[sflag:s13] =	ssyncset.done $0x0  }
0x182: {  	[sflag:s13] =	ssyncadd.s32 $0xFFFFFC00  }
0x183: {  	_ =	swait.ge [sflag:s12], $0x400  }
0x184: {  	[sflag:s12] =	ssyncset.done $0x0  }
0x185: {  	[sflag:s12] =	ssyncadd.s32 $0xFFFFFC00  }
0x186: {  	_ =	swait.ge [sflag:s13], $0x400  }
0x187: {  	[sflag:s13] =	ssyncset.done $0x0  }
0x188: {  	[sflag:s13] =	ssyncadd.s32 $0xFFFFFC00  }
0x189: {  	_ =	swait.ge [sflag:s12], $0x400  }
0x18a: {  	[sflag:s12] =	ssyncset.done $0x0  }
0x18b: {  	[sflag:s12] =	ssyncadd.s32 $0xFFFFFC00  }
0x18c: {  	_ =	swait.ge [sflag:s13], $0x400  }
0x18d: {  	[sflag:s13] =	ssyncset.done $0x0  }
0x18e: {  	[sflag:s13] =	ssyncadd.s32 $0xFFFFFC00  }
0x18f: {  	_ =	swait.ge [sflag:s12], $0x400  }
0x190: {  	[sflag:s12] =	ssyncset.done $0x0  }
0x191: {  	[sflag:s12] =	ssyncadd.s32 $0xFFFFFC00  }
0x192: {  	_ =	swait.ge [sflag:s13], $0x400  }
0x193: {  	[sflag:s13] =	ssyncset.done $0x0  }
0x194: {  	[sflag:s13] =	ssyncadd.s32 $0xFFFFFC00  }
0x195: {  	_ =	swait.ge [sflag:s12], $0x400  }
0x196: {  	[sflag:s12] =	ssyncset.done $0x0  }
0x197: {  	[sflag:s12] =	ssyncadd.s32 $0xFFFFFC00  }
0x198: {  	_ =	swait.ge [sflag:s13], $0x400  }
0x199: {  	[sflag:s13] =	ssyncset.done $0x0  }
0x19a: {  	[sflag:s13] =	ssyncadd.s32 $0xFFFFFC00  }
0x19b: {  	_ =	swait.ge [sflag:s12], $0x400  }
0x19c: {  	[sflag:s12] =	ssyncset.done $0x0  }
0x19d: {  	[sflag:s12] =	ssyncadd.s32 $0xFFFFFC00  }
0x19e: {  	_ =	swait.ge [sflag:s13], $0x400  }
0x19f: {  	[sflag:s13] =	ssyncset.done $0x0  }
0x1a0: {  	[sflag:s13] =	ssyncadd.s32 $0xFFFFFC00  }
0x1a1: {  	_ =	swait.ge [sflag:s12], $0x400  }
0x1a2: {  	[sflag:s12] =	ssyncset.done $0x0  }
0x1a3: {  	[sflag:s12] =	ssyncadd.s32 $0xFFFFFC00  }
0x1a4: {  	_ =	swait.ge [sflag:s13], $0x400  }
0x1a5: {  	[sflag:s13] =	ssyncset.done $0x0  }
0x1a6: {  	[sflag:s13] =	ssyncadd.s32 $0xFFFFFC00  }
0x1a7: {  	_ =	swait.ge [sflag:s12], $0x400  }
0x1a8: {  	[sflag:s12] =	ssyncset.done $0x0  }
0x1a9: {  	[sflag:s12] =	ssyncadd.s32 $0xFFFFFC00  }
0x1aa: {  	_ =	swait.ge [sflag:s13], $0x400  }
0x1ab: {  	[sflag:s13] =	ssyncset.done $0x0  }
0x1ac: {  	[sflag:s13] =	ssyncadd.s32 $0xFFFFFC00  }
0x1ad: {  	_ =	swait.ge [sflag:s12], $0x400  }
0x1ae: {  	[sflag:s12] =	ssyncset.done $0x0  }
0x1af: {  	[sflag:s12] =	ssyncadd.s32 $0xFFFFFC00  }
0x1b0: {  	_ =	swait.ge [sflag:s13], $0x400  }
0x1b1: {  	[sflag:s13] =	ssyncset.done $0x0  }
0x1b2: {  	[sflag:s13] =	ssyncadd.s32 $0xFFFFFC00  }
0x1b3: {  	_ =	swait.ge [sflag:s12], $0x400  }
0x1b4: {  	[sflag:s12] =	ssyncset.done $0x0  }
0x1b5: {  	[sflag:s12] =	ssyncadd.s32 $0xFFFFFC00  }
0x1b6: {  	_ =	swait.ge [sflag:s13], $0x400  }
0x1b7: {  	[sflag:s13] =	ssyncset.done $0x0  }
0x1b8: {  	[sflag:s13] =	ssyncadd.s32 $0xFFFFFC00  }
0x1b9: {  	_ =	swait.ge [sflag:s12], $0x400  }
0x1ba: {  	[sflag:s12] =	ssyncset.done $0x0  }
0x1bb: {  	[sflag:s12] =	ssyncadd.s32 $0xFFFFFC00  }
0x1bc: {  	_ =	swait.ge [sflag:s13], $0x400  }
0x1bd: {  	[sflag:s13] =	ssyncset.done $0x0  }
0x1be: {  	[sflag:s13] =	ssyncadd.s32 $0xFFFFFC00  }
0x1bf: {  	_ =	swait.ge [sflag:s12], $0x400  }
0x1c0: {  	[sflag:s12] =	ssyncset.done $0x0  }
0x1c1: {  	[sflag:s12] =	ssyncadd.s32 $0xFFFFFC00  }
0x1c2: {  	_ =	swait.ge [sflag:s13], $0x400  }
0x1c3: {  	[sflag:s13] =	ssyncset.done $0x0  }
0x1c4: {  	[sflag:s13] =	ssyncadd.s32 $0xFFFFFC00  }
0x1c5: {  	_ =	swait.ge [sflag:s12], $0x400  }
0x1c6: {  	[sflag:s12] =	ssyncset.done $0x0  }
0x1c7: {  	[sflag:s12] =	ssyncadd.s32 $0xFFFFFC00  }
0x1c8: {  	_ =	swait.ge [sflag:s13], $0x400  }
0x1c9: {  	[sflag:s13] =	ssyncset.done $0x0  }
0x1ca: {  	[sflag:s13] =	ssyncadd.s32 $0xFFFFFC00  }
0x1cb: {  	_ =	swait.ge [sflag:s12], $0x400  }
0x1cc: {  	[sflag:s12] =	ssyncset.done $0x0  }
0x1cd: {  	[sflag:s12] =	ssyncadd.s32 $0xFFFFFC00  }
0x1ce: {  	_ =	swait.ge [sflag:s13], $0x400  }
0x1cf: {  	[sflag:s13] =	ssyncset.done $0x0  }
0x1d0: {  	[sflag:s13] =	ssyncadd.s32 $0xFFFFFC00  }
0x1d1: {  	_ =	swait.ge [sflag:s12], $0x400  }
0x1d2: {  	[sflag:s12] =	ssyncset.done $0x0  }
0x1d3: {  	[sflag:s12] =	ssyncadd.s32 $0xFFFFFC00  }
0x1d4: {  	_ =	swait.ge [sflag:s13], $0x400  }
0x1d5: {  	[sflag:s13] =	ssyncset.done $0x0  }
0x1d6: {  	[sflag:s13] =	ssyncadd.s32 $0xFFFFFC00  }
0x1d7: {  	_ =	swait.ge [sflag:s12], $0x400  }
0x1d8: {  	[sflag:s12] =	ssyncset.done $0x0  }
0x1d9: {  	[sflag:s12] =	ssyncadd.s32 $0xFFFFFC00  }
0x1da: {  	_ =	swait.ge [sflag:s13], $0x400  }
0x1db: {  	[sflag:s13] =	ssyncset.done $0x0  }
0x1dc: {  	[sflag:s13] =	ssyncadd.s32 $0xFFFFFC00  }
0x1dd: {  	_ =	swait.ge [sflag:s12], $0x400  }
0x1de: {  	[sflag:s12] =	ssyncset.done $0x0  }
0x1df: {  	[sflag:s12] =	ssyncadd.s32 $0xFFFFFC00  }
0x1e0: {  	_ =	swait.ge [sflag:s13], $0x400  }
0x1e1: {  	[sflag:s13] =	ssyncset.done $0x0  }
0x1e2: {  	[sflag:s13] =	ssyncadd.s32 $0xFFFFFC00  }
0x1e3: {  	_ =	swait.ge [sflag:s12], $0x400  }
0x1e4: {  	[sflag:s12] =	ssyncset.done $0x0  }
0x1e5: {  	[sflag:s12] =	ssyncadd.s32 $0xFFFFFC00  }
0x1e6: {  	_ =	swait.ge [sflag:s13], $0x400  }
0x1e7: {  	[sflag:s13] =	ssyncset.done $0x0  }
0x1e8: {  	[sflag:s13] =	ssyncadd.s32 $0xFFFFFC00  }
0x1e9: {  	_ =	swait.ge [sflag:s12], $0x400  }
0x1ea: {  	[sflag:s12] =	ssyncset.done $0x0  }
0x1eb: {  	[sflag:s12] =	ssyncadd.s32 $0xFFFFFC00  }
0x1ec: {  	_ =	swait.ge [sflag:s13], $0x400  }
0x1ed: {  	[sflag:s13] =	ssyncset.done $0x0  }
0x1ee: {  	[sflag:s13] =	ssyncadd.s32 $0xFFFFFC00  }
0x1ef: {  	_ =	swait.ge [sflag:s12], $0x400  }
0x1f0: {  	[sflag:s12] =	ssyncset.done $0x0  }
0x1f1: {  	[sflag:s12] =	ssyncadd.s32 $0xFFFFFC00  }
0x1f2: {  	_ =	swait.ge [sflag:s13], $0x400  }
0x1f3: {  	[sflag:s13] =	ssyncset.done $0x0  }
0x1f4: {  	[sflag:s13] =	ssyncadd.s32 $0xFFFFFC00  }
0x1f5: {  	_ =	swait.ge [sflag:s12], $0x400  }
0x1f6: {  	[sflag:s12] =	ssyncset.done $0x0  }
0x1f7: {  	[sflag:s12] =	ssyncadd.s32 $0xFFFFFC00  }
0x1f8: {  	_ =	swait.ge [sflag:s13], $0x400  }
0x1f9: {  	[sflag:s13] =	ssyncset.done $0x0  }
0x1fa: {  	s16 =	simm.s32 $0x0;
	[sflag:s13] =	ssyncadd.s32 $0xFFFFFC00  }
0x1fb: {  	v6 =	vld [tilespmem:s16+$0x6590]  }
0x1fc: {  	v7 =	vld [tilespmem:s16+$0x65A0]  }
0x1fd: {  	v2 =	vld [tilespmem:s16+$0x65B0]  }
0x1fe: {  	v1 =	vld [tilespmem:s16+$0x65C0]  }
0x1ff: {  	v3 =	vld [tilespmem:s16+$0x190]  }
0x200: {  	v5 =	vld [tilespmem:s16+$0x1A0]  }
0x201: {  	s17 =	simm.s32 $0x100;
	v4 =	vld [tilespmem:s16+$0x1B0]  }
.LBB2_3:
0x202: {  	s18 =	sshra.s32 s17, $0x2;
	p0 =	sne.s32 s17, $0x18F00;
	v8 =	vld [tilespmem:s16+$0x1C0];
	v9 =	vmov v2  }
0x203: {  	v10 =	vld [tilespmem:s18+$0x6590];
	v11 =	vmov v1  }
0x204: {  	v12 =	vld [tilespmem:s18+$0x65A0];
	v3 =	vadd.f32 v6, v3  }
.Ltmp0:
0x205: {  	v2 =	vld [tilespmem:s18+$0x65B0];
	v5 =	vadd.f32 v7, v5;
	(pc) =	sbr.rel @p0 .LBB2_3-.Ltmp0, $4  }
0x206: {  	v1 =	vld [tilespmem:s18+$0x65C0];
	[tilespmem:s16+$0x190] =	vst v3;
	v4 =	vadd.f32 v9, v4  }
0x207: {  	v3 =	vld [tilespmem:s18+$0x190];
	[tilespmem:s16+$0x1A0] =	vst v5;
	v8 =	vadd.f32 v11, v8  }
0x208: {  	v5 =	vld [tilespmem:s18+$0x1A0];
	[tilespmem:s16+$0x1B0] =	vst v4;
	v6 =	vmov v10  }
0x209: {  	s17 =	sadd.s32 $0x100, s17;
	v4 =	vld [tilespmem:s18+$0x1B0];
	[tilespmem:s16+$0x1C0] =	vst v8;
	v7 =	vmov v12;
	s16 =	smov.u32 s18  }
0x20a: {  	v8 =	vld [tilespmem:s16+$0x1C0];
	_ =	sdelay $0x1  }
0x20b: {  	v3 =	vadd.f32 v6, v3  }
0x20c: {  	v5 =	vadd.f32 v7, v5  }
0x20d: {  	[tilespmem:s16+$0x190] =	vst v3;
	v2 =	vadd.f32 v2, v4  }
0x20e: {  	s14 =	sadd.s32 $0x1, s14;
	[tilespmem:s16+$0x1A0] =	vst v5;
	v1 =	vadd.f32 v1, v8  }
0x20f: {  	s15 =	sshll.u32 s15, $0x3;
	s17 =	rddreg [dreg:$0x2];
	p0 =	sne.s32 s14, $0x40;
	[tilespmem:s16+$0x1B0] =	vst v2  }
.Ltmp1:
0x210: {  	s18 =	simm.s32 $0x0;
	s15 =	sadd.s32 s17, s15;
	[tilespmem:s16+$0x1C0] =	vst v1;
	(pc) =	sbr.rel @p0 .LBB2_2-.Ltmp1, $4  }
0x211: {  	[hbm4b:s15+s18] =	stream.linear.scatter [tilespmem:s10], [sflag:$0x3], $0x6400, $0x38;
	[tilespmem:$0xC990] =	vst v63  }
0x212: {  	_ =	swait.ge [sflag:s9], $0x6400  }
0x213: {  	[sflag:s9] =	ssyncset.done $0x0  }
0x214: {  	[sflag:s9] =	ssyncadd.s32 $0xFFFF9C00  }
0x215: {  	s15 =	rddreg [dreg:$0x5]  }
0x216: {  	s14 =	rddreg [dreg:$0x4];
	s15 =	sadd.s32 $0x1, s15  }
0x217: {  	p0 =	sne.s32 s15, s14  }
.Ltmp2:
0x218: {  	_ = 	snop;
	(pc) =	sbr.rel @p0 .LBB2_1-.Ltmp2, $1  }
0x219: {  	_ =	sdelay $0x3  }
0x21a: {  	_ =	sfence.sel $0x180000  }
0x21b: {  	[bflag:$0x0] =	sbarrier.arrive $0xFFFF  }
0x21c: {  	_ =	strace $0x90000047  }
0x21d: {  	s0 =	stileid.u32;
	[bflag:$0x2] =	sbarrier.arrive $0xFFFF  }
0x21e: {  	p0 =	sne.s32 s0, $0x0;
	s0 =	rddreg [dreg:$0x3]  }
0x21f: {  	s0 =	sadd.s32 @!p0 $0x100000, s0  }
0x220: {  	[sflag:s0] =	ssyncadd.tile.s32 @!p0 $0x1;
	_ =	shalt  }
.Lfunc_end2:
_tile_overlayer_lowered:
.L_overlay_start_2:
0x221: {  	(tag) =	ssettag $0x2  }
0x222: {  	s0 =	rddreg [dreg:$0x0];
	s2 =	stileid.u32  }
0x223: {  	s1 =	rddreg [dreg:$0x1];
	p0 =	sne.s32 s2, $0x0  }
0x224: {  	s3 =	rddreg [dreg:$0x2];
	[bflag:$0x3] =	sbarrier.arrive $0xFFFF;
	s2 =	simm.s32 @!p0 $0x1C03  }
0x225: {  	[timem:s3], [sflag:s2] =	dma.local @!p0 [hbm:s0], s1  }
0x226: {  	s0 =	simm.s32 @!p0 $0x3  }
0x227: {  	_ =	swait.ge @!p0 [sflag:s0], s1  }
0x228: {  	s1 =	ssub.s32 @!p0 $0x0, s1;
	[sflag:s0] =	ssyncset.done @!p0 $0x0  }
0x229: {  	[sflag:s0] =	ssyncadd.s32 @!p0 s1  }
0x22a: {  	[bflag:$0x3] =	sbarrier.arrive $0xFFFF  }
0x22b: {  	_ =	shalt  }

// kernel: sparse-core-data-format-call.cloned.1.call-start
scs
called_computation_lowered:
.L_overlay_start_0:
0x0: {  	s2 =	sld [smem:$0x3FD9]  }
0x1: {  	s3 =	sld [smem:$0x3FFE];
	_ =	sdelay $0x1  }
0x2: {  	s1 =	srdreg.scid  }
0x3: {  	s0 =	sand.u32 $0x1, s1  }
0x4: {  	s15 =	sshll.u32 s0, $0xA;
	s2 =	sadd.s32 s3, s2  }
0x5: {  	s2 =	sadd.s32 s2, s15  }
0x6: {  	[smem:$0x3FC5] =	sst s2  }
0x7: {  	_ = 	snop  }
0x8: {  	s2 =	sld [smem:$0x3FD0];
	_ =	sdelay $0x2  }
0x9: {  	s16 =	simm.s32 $0xA;
	s4 =	simm.s32 $0x10  }
0xa: {  	[smem:s4], [sflag:s16] =	dma.local [hbm:s2], $0x1  }
0xb: {  	_ =	swait.eq [sflag:s16], $0x1  }
0xc: {  	[sflag:s16] =	ssyncset.done $0x0  }
0xd: {  	[sflag:s16] =	ssyncadd.s32 $0xFFFFFFFF  }
0xe: {  	s17 =	sld [smem:$0x10];
	(tm) =	ssettm $0x1  }
0xf: {  	s18 =	sld [smem:$0x3FFB];
	_ =	sdelay $0x3  }
0x10: {  	_ =	strace s18  }
0x11: {  	s3 =	sld [smem:$0x3FFC];
	_ =	sdelay $0x3  }
0x12: {  	_ =	strace s3  }
0x13: {  	s3 =	sld [smem:$0x3FFD];
	_ =	sdelay $0x3  }
0x14: {  	_ =	strace s3  }
0x15: {  	_ =	strace $0x8FFFFFFF  }
0x16: {  	s19 =	sld [smem:$0x3FDB];
	_ =	sdelay $0x1  }
0x17: {  	s20 =	simm.s32 $_scs_section_size  }
0x18: {  	s5 =	simm.s32 $_size__tile_overlayer_lowered;
	s6 =	simm.s32 $_tile_overlayer_lowered  }
0x19: {  	s23 =	simm.s32 $0x1BFF;
	s22 =	sshll.u32 s6, $0x1;
	s3 =	sadd.s32 s20, s19  }
0x1a: {  	s7 =	simm.s32 $0x0;
	s21 =	sshll.u32 s5, $0x1;
	s5 =	sadd.s32 s22, s3  }
0x1b: {  	[timem:s7], [sflag:s23] =	dma.local [hbm:s5], s21  }
0x1c: {  	_ =	swait.ge [sflag:s23], s21  }
0x1d: {  	s4 =	ssub.s32 $0x0, s21;
	[sflag:s23] =	ssyncset.done $0x0  }
0x1e: {  	[sflag:s23] =	ssyncadd.s32 s4;
	_ =	sdelay $0x1  }
0x1f: {  	s24 =	simm.s32 $0x1B8B  }
0x20: {  	_ =	swait.ge [sflag:s24], $0x1  }
0x21: {  	[sflag:s24] =	ssyncset.done $0x0  }
0x22: {  	s26 =	simm.s32 $0x1B8E;
	s25 =	sld [smem:$0x3FFE];
	[sflag:s24] =	ssyncadd.s32 $0xFFFFFFFF  }
0x23: {  	s27 =	simm.s32 $execute0_lowered;
	[smem:$0x3FD2] =	sst s26  }
0x24: {  	s5 =	sshll.u32 s27, $0x1;
	_ =	strace $0x80000049;
	[dreg:$0x1] =	wrdreg $0xFFFFFFFF  }
0x25: {  	s28 =	simm.s32 $_size_execute0_lowered;
	s3 =	sadd.s32 s3, s5;
	[dreg:$0x0] =	wrdreg $0x0  }
0x26: {  	s5 =	sshll.u32 s28, $0x1;
	[dreg:$0x2] =	wrdreg s3  }
0x27: {  	[dreg:$0x3] =	wrdreg s5  }
0x28: {  	[dreg:$0x4] =	wrdreg $0xC0  }
0x29: {  	_ =	task [dreg:s7], $0x5FFFF  }
0x2a: {  	[dreg:$0x1] =	wrdreg $0xFFFFFFFF  }
0x2b: {  	[dreg:$0x0] =	wrdreg $0x60  }
0x2c: {  	[dreg:$0x2] =	wrdreg s25  }
0x2d: {  	[dreg:$0x3] =	wrdreg s17  }
0x2e: {  	[dreg:$0x4] =	wrdreg $0x9  }
0x2f: {  	_ =	task.clear_ibuf [dreg:s7], $0x5FFFF;
	_ =	strace $0x90000049  }
0x30: {  	s29 =	simm.s32 $0x9;
	_ =	strace $0x8000004B  }
0x31: {  	_ =	swait.ge [sflag:s29], $0x1  }
0x32: {  	[sflag:s29] =	ssyncadd.s32 $0xFFFFFFFF  }
0x33: {  	_ =	strace $0x9000004B  }
0x34: {  	_ =	sfence  }
0x35: {  	s30 =	sld [smem:$0x0];
	_ =	sdelay $0x2  }
0x36: {  	s31 =	sshll.u32 s1, $0xD;
	s1 =	sshrl.u32 s1, $0x2  }
0x37: {  	s3 =	sand.u32 $0x4000, s31;
	s1 =	sadd.s32 s1, s30  }
0x38: {  	s0 =	sor.u32 s3, s0;
	s1 =	sshll.u32 s1, $0x11  }
0x39: {  	s0 =	sor.u32 s1, s0  }
0x3a: {  	s0 =	sadd.s32 $0x8F2B, s0  }
0x3b: {  	[sflag:s0] =	ssyncadd.remote.s32 $0x1  }
0x3c: {  	_ =	sfence.sel $0xFFFF  }
0x3d: {  	[dreg:$0x0] =	wrdreg $0xFFFFFFFF;
	(pc) =	sbr.abs _section_cstart, $3  }
0x3e: {  	[dreg:$0x1] =	wrdreg $0xFFFFFFFF  }
0x3f: {  	_ =	task.clear_ibuf [dreg:s7], $0x2FFFF;
	_ =	strace $0x9FFFFFFF  }
0x40: {  	(tm) =	ssettm $0x7FFFFFFF  }
0x41: {  	_ =	shalt  }
tec
execute0_lowered:
.L_overlay_start_1:
0x0: {  	(tag) =	ssettag $0x1  }
0x1: {  	s0 =	srdreg.scid  }
0x2: {  	s1 =	sshll.u32 s0, $0x4  }
0x3: {  	s0 =	stileid.u32;
	s1 =	sand.u32 $0x10, s1  }
0x4: {  	s1 =	sor.u32 s0, s1  }
0x5: {  	s6 =	rddreg [dreg:$0x0];
	s4 =	simm.s32 $0x1;
	s2 =	sshll.u32 s1, $0x7  }
0x6: {  	s7 =	simm.s32 $0x2;
	s12 =	simm.s32 $0x0;
	s1 =	ssub.s32 $0x1000, s2  }
0x7: {  	s8 =	simm.s32 $0x8000;
	s13 =	simm.s32 $0x0;
	s3 =	sand.u32 $0xF80, s1  }
0x8: {  	s9 =	simm.s32 $0x0;
	s5 =	sshrl.u32 s1, $0xC;
	p0 =	sne.s32 s3, $0x0  }
.Ltmp0:
0x9: {  	s1 =	rddreg [dreg:$0x2];
	s4 =	simm.s32 @!p0 $0x0;
	(pc) =	sbr.rel .LBB1_1-.Ltmp0, $4  }
0xa: {  	s11 =	simm.s32 $0x0;
	s3 =	rddreg [dreg:$0x1];
	s5 =	sadd.s32 s4, s5  }
0xb: {  	_ =	strace $0x8000004A;
	s4 =	simm.s32 $0x1;
	s5 =	smul.u32 $0xC8, s5  }
0xc: {  	s6 =	sadd.s32 $0xE00, s6;
	s10 =	smov.u32 s2;
	[sflag:s4] =	ssyncpa.u1 $0x0  }
0xd: {  	p0 =	por $0x0, $0x0;
	[sflag:s7] =	ssyncpa.u1 $0x0;
	s7 =	sor.u32 $0x1, s5  }
.LBB1_4:
0xe: {  	s16 =	sshll.u32 s13, $0x3;
	s17 =	sand.u32 $0x78, s13  }
0xf: {  	s30 =	sand.u32 $0x7E00, s13;
	s12 =	sshll.u32 s12, $0xF;
	s16 =	sand.u32 $0xC00, s16  }
0x10: {  	[tilespmem:s15+$0x810 ss:$0x81] =	vst.msk $0xffff, v2;
	s31 =	sand.u32 $0x7, s13;
	s16 =	sor.u32 s17, s16;
	s17 =	sadd.s32 s3, s30  }
0x11: {  	[tilespmem:s15+$0x1020 ss:$0x81] =	vst.msk $0xffff, v0;
	s13 =	sshll.u32 s31, $0x12;
	s12 =	sadd.s32 s12, s17;
	s16 =	sshrl.u32 s16, $0x3  }
0x12: {  	[tilespmem:s15+$0x0 ss:$0x81] =	vst.msk $0xffff, v1;
	s13 =	sor.u32 $0x400, s13;
	s12 =	sadd.s32 s16, s12  }
0x13: {  	[hbm4b:s12+s13] =	stream.strided.scatter [tilespmem:s14], [sflag:$0x2], $0x2000, s8, s13, $0x20;
	[tilespmem:$0x8080] =	vst v63  }
.LBB1_5:
0x14: {  	s14 =	sadd.s32 $0x1, s9  }
0x15: {  	s12 =	sadd.s32 $0x1000, s10;
	s16 =	smov.u32 s10;
	p2 =	sgt.s32 s14, $0xC7  }
0x16: {  	s16 =	smov.u32 @p2 s12  }
0x17: {  	s14 =	simm.s32 @p2 $0x0;
	p2 =	sgt.s32 s16, $0xFFF  }
0x18: {  	s16 =	smov.u32 @p2 s2;
	p2 =	sne.s32 s11, s7  }
.Ltmp1:
0x19: {  	p1 =	slt.u32 s11, $0x2;
	(pc) =	sbr.rel @!p2 .LBB1_6-.Ltmp1, $4  }
0x1a: {  	s15 =	simm.s32 @!p1 $0x2  }
0x1b: {  	s13 =	smov.u32 s10;
	p0 =	por !p0, !p0;
	_ =	swait.ge @!p1 [sflag:s15], $0x2000  }
0x1c: {  	s12 =	smov.u32 s9;
	[sflag:s15] =	ssyncset.done @!p1 $0x0;
	s9 =	smov.u32 s14  }
0x1d: {  	s11 =	sadd.s32 $0x1, s11;
	[sflag:s15] =	ssyncadd.s32 @!p1 $0xFFFFE000;
	s10 =	smov.u32 s16  }
.LBB1_1:
0x1e: {  	p1 =	sge.u32 s11, s5  }
0x1f: {  	s14 =	sand.u32 @!p1 $0x1FFFFFF, s9  }
0x20: {  	s15 =	smulhi.u32 @!p1 $0x147AE15, s14;
	_ =	sdelay $0x1  }
0x21: {  	s15 =	smul.u32 @!p1 $0xC8, s15  }
0x22: {  	s16 =	sxor.u32 @!p1 $0xFFFFFFFF, s11;
	s17 =	smul.u32 @!p1 $0xC80, s10  }
0x23: {  	s31 =	sadd.s32 $0xFFFFFFFF, s11;
	s16 =	sshll.u32 @!p1 s16, $0xD;
	s14 =	ssub.s32 @!p1 s14, s15  }
0x24: {  	s15 =	sand.u32 @!p1 $0x2000, s16;
	s16 =	sadd.s32 @!p1 s6, s17;
	s14 =	sshll.u32 @!p1 s14, $0x4  }
0x25: {  	s17 =	simm.s32 @!p1 $0x6400;
	s14 =	sadd.s32 @!p1 s14, s16;
	s16 =	simm.s32 @!p1 $0x40  }
0x26: {  	[tilespmem:s15], [sflag:$0x1] =	stream.strided.gather @!p1 [hbm4b:s14+s16], $0x2000, s17, s16, $0x38;
	[tilespmem:$0x8080] =	vst v63  }
0x27: {  	p1 =	sge.u32 s31, s5  }
.Ltmp2:
0x28: {  	_ = 	snop;
	(pc) =	sbr.rel @p1 .LBB1_5-.Ltmp2, $1  }
0x29: {  	_ =	sdelay $0x3  }
0x2a: {  	s14 =	simm.s32 $0x1  }
0x2b: {  	_ =	swait.ge [sflag:s4], $0x2000;
	s14 =	simm.s32 @!p0 $0x0  }
0x2c: {  	[sflag:s4] =	ssyncset.done $0x0;
	s15 =	sshll.u32 s14, $0xD  }
0x2d: {  	[sflag:s4] =	ssyncadd.s32 $0xFFFFE000;
	s18 =	sor.u32 $0x20, s15  }
0x2e: {  	s14 =	smul.u32 $0x8100, s14;
	v3 =	vld [tilespmem:s18+$0x10]  }
0x2f: {  	s30 =	sand.u32 $0x1, s11;
	v2 =	vld [tilespmem:s18+$0xFFFFFFF0]  }
0x30: {  	s15 =	smul.u32 $0x8100, s30;
	s14 =	sshrl.u32 s14, $0x2;
	v0 =	vld [tilespmem:s18+$0x0]  }
0x31: {  	v1 =	vld [tilespmem:s18+$0xFFFFFFE0];
	s16 =	sor.u32 $0x4000, s14  }
0x32: {  	s31 =	sshrl.u32 s15, $0x2;
	s15 =	sadd.s32 $0x0, s16  }
0x33: {  	s17 =	simm.s32 $0x4;
	s18 =	sadd.s32 $0x40, s18;
	s14 =	sor.u32 $0x4000, s31;
	[tilespmem:s15+$0x1830 ss:$0x81] =	vst.msk $0xffff, v3  }
.LBB1_3:
0x34: {  	v3 =	vld [tilespmem:s18+$0x10];
	p1 =	sne.s32 s17, $0x1FC;
	[tilespmem:s15+$0x810 ss:$0x81] =	vst.msk $0xffff, v2;
	s19 =	smov.u32 s17;
	s17 =	sadd.s32 $0x4, s17  }
.Ltmp3:
0x35: {  	v2 =	vld [tilespmem:s18+$0xFFFFFFF0];
	[tilespmem:s15+$0x1020 ss:$0x81] =	vst.msk $0xffff, v0;
	(pc) =	sbr.rel @p1 .LBB1_3-.Ltmp3, $4  }
0x36: {  	v0 =	vld [tilespmem:s18+$0x0];
	[tilespmem:s15+$0x0 ss:$0x81] =	vst.msk $0xffff, v1  }
0x37: {  	s15 =	sshra.s32 s19, $0x2;
	v1 =	vld [tilespmem:s18+$0xFFFFFFE0]  }
0x38: {  	s15 =	sadd.s32 s15, s16  }
0x39: {  	s18 =	sadd.s32 $0x40, s18;
	[tilespmem:s15+$0x1830 ss:$0x81] =	vst.msk $0xffff, v3  }
.Ltmp4:
0x3a: {  	_ = 	snop;
	(pc) =	sbr.rel .LBB1_4-.Ltmp4, $1  }
0x3b: {  	_ =	sdelay $0x3  }
.LBB1_6:
0x3c: {  	_ =	sfence.sel $0x180000  }
0x3d: {  	s2 =	simm.s32 $0x1;
	[bflag:$0x0] =	sbarrier.arrive $0xFFFF  }
0x3e: {  	s31 =	simm.s32 $0x2;
	[sflag:s2] =	ssyncpa.u1 $0x1  }
0x3f: {  	[sflag:s31] =	ssyncpa.u1 $0x1  }
0x40: {  	p0 =	sne.s32 s0, $0x0;
	_ =	strace $0x9000004A  }
0x41: {  	s0 =	sadd.s32 @!p0 $0x100000, s1;
	[bflag:$0x2] =	sbarrier.arrive $0xFFFF  }
0x42: {  	[sflag:s0] =	ssyncadd.tile.s32 @!p0 $0x1;
	_ =	shalt  }
.Lfunc_end1:
_tile_overlayer_lowered:
.L_overlay_start_2:
0x43: {  	(tag) =	ssettag $0x2  }
0x44: {  	s0 =	rddreg [dreg:$0x0];
	s2 =	stileid.u32  }
0x45: {  	s1 =	rddreg [dreg:$0x1];
	p0 =	sne.s32 s2, $0x0  }
0x46: {  	s3 =	rddreg [dreg:$0x2];
	[bflag:$0x3] =	sbarrier.arrive $0xFFFF;
	s2 =	simm.s32 @!p0 $0x1C01  }
0x47: {  	[timem:s3], [sflag:s2] =	dma.local @!p0 [hbm:s0], s1  }
0x48: {  	s0 =	simm.s32 @!p0 $0x1  }
0x49: {  	_ =	swait.ge @!p0 [sflag:s0], s1  }
0x4a: {  	s1 =	ssub.s32 @!p0 $0x0, s1;
	[sflag:s0] =	ssyncset.done @!p0 $0x0  }
0x4b: {  	[sflag:s0] =	ssyncadd.s32 @!p0 s1  }
0x4c: {  	[bflag:$0x3] =	sbarrier.arrive $0xFFFF  }
0x4d: {  	_ =	shalt  }

</sc_bundles>
